<compile_context>
chip_gen: v7x
topology: tpu7x:2x2x1
jax: 0.10.2.dev20260603
libtpu: 0.0.44.dev20260713+nightly
codegen_flags: <defaults>
</compile_context>

<pallas_src>
import functools

import jax
import jax.numpy as jnp
from jax import lax
from jax.experimental import pallas as pl
from jax.experimental.pallas import tpu as pltpu
from jax.experimental.pallas import tpu_sc as plsc

N = 10000
E = 320000
D = 128
NC = 2
NS = 16
NW = NC * NS
CHUNK = 128
TOTCH = E // CHUNK
NCH0 = 78
NCH1 = 78
XT0 = TOTCH - NS * (NCH0 + NCH1)
NPAD = 10240
STRIPE = NPAD // NS

_mesh = plsc.VectorSubcoreMesh(core_axis_name="c", subcore_axis_name="s",
                               num_cores=NC, num_subcores=NS)


def _zero_fill(buf, nrows, ncols):
    z16 = jnp.zeros((16,), jnp.float32)

    def fill(i, _):
        buf[i // (ncols // 16), pl.ds((i % (ncols // 16)) * 16, 16)] = z16
        return 0

    lax.fori_loop(0, nrows * (ncols // 16), fill, 0)


def _seg_pipe(ei_hbm, feat_hbm, out_sum, sum_sh, sidx, didx, rows,
              sems, zrows_hbm=None, cnt_pack=None):
    c = lax.axis_index("c")
    s = lax.axis_index("s")

    if zrows_hbm is None:
        _zero_fill(rows[0], CHUNK, D)
    else:
        pltpu.sync_copy(zrows_hbm, rows[0])
    if cnt_pack is not None:
        out_cnt, cntv = cnt_pack
        z16 = jnp.zeros((16,), jnp.float32)

        def czf(i, _):
            cntv[pl.ds(i * 16, 16)] = z16
            return 0

        lax.fori_loop(0, NPAD // 16, czf, 0)

    row0 = s * STRIPE

    def zcopy(j, _):
        pltpu.sync_copy(rows[0], sum_sh.at[pl.ds(row0 + j * CHUNK, CHUNK), :])
        return 0

    lax.fori_loop(0, STRIPE // CHUNK, zcopy, 0)
    plsc.subcore_barrier()

    nch = jnp.where(c == 0, NCH0 + (s < XT0), NCH1)
    cbase = jnp.where(c == 0, s * NCH0 + jnp.minimum(s, XT0),
                      NS * NCH0 + XT0 + s * NCH1)
    one16 = jnp.ones((16,), jnp.float32)

    def load_and_fire(i, par):
        base = (cbase + i) * CHUNK
        pltpu.sync_copy(ei_hbm.at[0, pl.ds(base, CHUNK)], sidx[par])
        pltpu.sync_copy(ei_hbm.at[1, pl.ds(base, CHUNK)], didx[par])
        return pltpu.async_copy(feat_hbm.at[sidx[par]], rows[par], sems[par])

    def drain_scatter(par):
        pltpu.make_async_copy(feat_hbm.at[sidx[par]], rows[par],
                              sems[par]).wait()
        pltpu.sync_copy(rows[par], sum_sh.at[didx[par]], add=True)
        if cnt_pack is not None:
            def cadd(j, _):
                v = didx[par][pl.ds(j * 16, 16)]
                plsc.addupdate_scatter(cntv, [v], one16)
                return 0

            lax.fori_loop(0, CHUNK // 16, cadd, 0)

    load_and_fire(0, 0)

    def epair(p, _):
        i0 = 2 * p

        @pl.when(i0 + 1 < nch)
        def _():
            load_and_fire(i0 + 1, 1)

        drain_scatter(0)

        @pl.when(i0 + 1 < nch)
        def _():
            @pl.when(i0 + 2 < nch)
            def _():
                load_and_fire(i0 + 2, 0)

            drain_scatter(1)

        return 0

    lax.fori_loop(0, (nch + 1) // 2, epair, 0)
    plsc.subcore_barrier()

    pltpu.sync_copy(sum_sh.at[pl.ds(row0, STRIPE), :],
                    out_sum.at[c, pl.ds(row0, STRIPE), :])
    if cnt_pack is not None:
        pltpu.sync_copy(cntv, out_cnt.at[c * NS + s])


@functools.partial(
    pl.kernel,
    out_type=(jax.ShapeDtypeStruct((NC, NPAD, D), jnp.float32),
              jax.ShapeDtypeStruct((NW, NPAD), jnp.float32)),
    mesh=_mesh,
    scratch_types=dict(
        sidx0=pltpu.VMEM((CHUNK,), jnp.int32),
        sidx1=pltpu.VMEM((CHUNK,), jnp.int32),
        didx0=pltpu.VMEM((CHUNK,), jnp.int32),
        didx1=pltpu.VMEM((CHUNK,), jnp.int32),
        rows0=pltpu.VMEM((CHUNK, D), jnp.float32),
        rows1=pltpu.VMEM((CHUNK, D), jnp.float32),
        cntv=pltpu.VMEM((NPAD,), jnp.float32),
        sum_sh=pltpu.VMEM_SHARED((NPAD, D), jnp.float32),
        gsem0=pltpu.SemaphoreType.DMA,
        gsem1=pltpu.SemaphoreType.DMA,
    ),
    compiler_params=pltpu.CompilerParams(needs_layout_passes=False),
)
def _seg_sum_deg(ei_hbm, feat_hbm, zrows_hbm, out_sum, out_cnt,
                 sidx0, sidx1, didx0, didx1, rows0, rows1, cntv, sum_sh,
                 gsem0, gsem1):
    _seg_pipe(ei_hbm, feat_hbm, out_sum, sum_sh,
              (sidx0, sidx1), (didx0, didx1), (rows0, rows1), (gsem0, gsem1),
              zrows_hbm=zrows_hbm, cnt_pack=(out_cnt, cntv))


@functools.partial(
    pl.kernel,
    out_type=jax.ShapeDtypeStruct((NC, NPAD, D), jnp.float32),
    mesh=_mesh,
    scratch_types=dict(
        sidx0=pltpu.VMEM((CHUNK,), jnp.int32),
        sidx1=pltpu.VMEM((CHUNK,), jnp.int32),
        didx0=pltpu.VMEM((CHUNK,), jnp.int32),
        didx1=pltpu.VMEM((CHUNK,), jnp.int32),
        rows0=pltpu.VMEM((CHUNK, D), jnp.float32),
        rows1=pltpu.VMEM((CHUNK, D), jnp.float32),
        sum_sh=pltpu.VMEM_SHARED((NPAD, D), jnp.float32),
        gsem0=pltpu.SemaphoreType.DMA,
        gsem1=pltpu.SemaphoreType.DMA,
    ),
)
def _seg_sum(ei_hbm, feat_hbm, out_sum,
             sidx0, sidx1, didx0, didx1, rows0, rows1, sum_sh, gsem0, gsem1):
    _seg_pipe(ei_hbm, feat_hbm, out_sum, sum_sh,
              (sidx0, sidx1), (didx0, didx1), (rows0, rows1), (gsem0, gsem1))


BN = 1000
CB = 2560


def _cntred_body(cn, out):
    out[...] = (1.0 / jnp.maximum(jnp.sum(cn[...], axis=0), 1.0))[:, None]


def _layer1_body(p0, p1, rcp, x, wl, wr, b, out):
    mean = (p0[...] + p1[...]) * rcp[...]
    acc = jnp.dot(mean, wl[...], preferred_element_type=jnp.float32)
    acc = acc + jnp.dot(x[...], wr[...], preferred_element_type=jnp.float32)
    out[...] = jnp.maximum(acc + b[...], 0.0)


def _layer2_body(q0, q1, rcp, h, wl, wr, b, wh, bh, out):
    mean = (q0[...] + q1[...]) * rcp[...]
    acc = jnp.dot(mean, wl[...], preferred_element_type=jnp.float32)
    acc = acc + jnp.dot(h[...], wr[...], preferred_element_type=jnp.float32)
    h2 = jnp.maximum(acc + b[...], 0.0)
    out[...] = jnp.dot(h2, wh[...],
                       preferred_element_type=jnp.float32) + bh[...]


DOUT = 3


def _row_spec(w):
    return pl.BlockSpec((BN, w), lambda i: (i, 0))


def _rcp_spec():
    return pl.BlockSpec((BN, 1), lambda i: (i, 0))


def _full_spec(r, cdim):
    return pl.BlockSpec((r, cdim), lambda i: (0, 0))


_cntred = pl.pallas_call(
    _cntred_body,
    grid=(NPAD // CB,),
    in_specs=[pl.BlockSpec((NW, CB), lambda i: (0, i))],
    out_specs=pl.BlockSpec((CB, 1), lambda i: (i, 0)),
    out_shape=jax.ShapeDtypeStruct((NPAD, 1), jnp.float32),
)


_layer1 = pl.pallas_call(
    _layer1_body,
    grid=(N // BN,),
    in_specs=[_row_spec(D), _row_spec(D), _rcp_spec(),
              _row_spec(D), _full_spec(D, D), _full_spec(D, D), _full_spec(1, D)],
    out_specs=_row_spec(D),
    out_shape=jax.ShapeDtypeStruct((N, D), jnp.float32),
)

_layer2 = pl.pallas_call(
    _layer2_body,
    grid=(N // BN,),
    in_specs=[_row_spec(D), _row_spec(D), _rcp_spec(),
              _row_spec(D), _full_spec(D, D), _full_spec(D, D), _full_spec(1, D),
              _full_spec(D, DOUT), _full_spec(1, DOUT)],
    out_specs=pl.BlockSpec((BN, DOUT), lambda i: (i, 0)),
    out_shape=jax.ShapeDtypeStruct((N, DOUT), jnp.float32),
)


def kernel(x, edge_index, W1_l, b1, W1_r, W2_l, b2, W2_r, W_head, b_head):
    zrows = jnp.zeros((CHUNK, D), jnp.float32)

    sums1, cnts = _seg_sum_deg(edge_index, x, zrows)
    rcp = _cntred(cnts)
    h1 = _layer1(sums1[0], sums1[1], rcp, x, W1_l, W1_r, b1.reshape(1, D))
    sums2 = _seg_sum(edge_index, h1)
    out = _layer2(sums2[0], sums2[1], rcp, h1, W2_l, W2_r, b2.reshape(1, D),
                  W_head, b_head.reshape(1, DOUT))
    return out

# --- scband reference (transcript-rebuilt; emitter-appended) ---
"""Pipeline reference for scband-bunny-gnnpolicy-17205638988261 (READ-ONLY COPY).

The authoritative reference and input builder live on the scoring server;
editing this copy changes nothing except your own understanding.
"""

import jax, jax.numpy as jnp
import numpy as np

N = 10000
E = 320000
D_IN = 128
H = 128
D_OUT = 3


def setup_inputs(seed: int = 0) -> dict:
    key = jax.random.key(seed)
    ks = jax.random.split(key, 8)
    x = jax.random.normal(ks[0], (N, D_IN), dtype=jnp.float32)
    edge_index = jax.random.randint(ks[1], (2, E), 0, N, dtype=jnp.int32)
    s1 = 1.0 / np.sqrt(D_IN)
    W1_l = jax.random.uniform(ks[2], (D_IN, H), minval=-s1, maxval=s1, dtype=jnp.float32)
    W1_r = jax.random.uniform(ks[3], (D_IN, H), minval=-s1, maxval=s1, dtype=jnp.float32)
    b1 = jnp.zeros((H,), dtype=jnp.float32)
    s2 = 1.0 / np.sqrt(H)
    W2_l = jax.random.uniform(ks[4], (H, H), minval=-s2, maxval=s2, dtype=jnp.float32)
    W2_r = jax.random.uniform(ks[5], (H, H), minval=-s2, maxval=s2, dtype=jnp.float32)
    b2 = jnp.zeros((H,), dtype=jnp.float32)
    W_head = jax.random.uniform(ks[6], (H, D_OUT), minval=-s2, maxval=s2, dtype=jnp.float32)
    b_head = jnp.zeros((D_OUT,), dtype=jnp.float32)
    return {"x": x, "edge_index": edge_index, "W1_l": W1_l, "b1": b1, "W1_r": W1_r,
            "W2_l": W2_l, "b2": b2, "W2_r": W2_r, "W_head": W_head, "b_head": b_head}


def _sage_conv(x, edge_index, W_l, b_l, W_r):
    # PyG SAGEConv with mean aggregation:
    #   out = lin_l(mean_{j in N(i)} x_j) + lin_r(x_i)
    src = edge_index[0]
    dst = edge_index[1]
    msgs = jnp.take(x, src, axis=0)                                  # gather  [E, d]
    summed = jax.ops.segment_sum(msgs, dst, num_segments=N)          # scatter-add [N, d]
    cnt = jax.ops.segment_sum(jnp.ones((E,), jnp.float32), dst, num_segments=N)
    mean = summed / jnp.clip(cnt, 1.0)[:, None]
    return mean @ W_l + b_l + x @ W_r


def reference(x, edge_index, W1_l, b1, W1_r, W2_l, b2, W2_r, W_head, b_head):
    h = jax.nn.relu(_sage_conv(x, edge_index, W1_l, b1, W1_r))
    h = jax.nn.relu(_sage_conv(h, edge_index, W2_l, b2, W2_r))
    out = h @ W_head + b_head
    return out

if __name__ == "__main__":
    import jax
    _d = setup_inputs()
    print(jax.jit(kernel)(*tuple(_d.values())))

</pallas_src>

<mosaic_0001>
#map = affine_map<(d0, d1) -> (0, 0)>
#map1 = affine_map<(d0, d1) -> (0, 0, 0)>
module attributes {stable_mosaic.version = 14 : i64} {
  func.func @_seg_sum(%arg0: i32, %arg1: i32, %arg2: memref<2x320000xi32, #tpu.memory_space<hbm>>, %arg3: memref<10000x128xf32, #tpu.memory_space<hbm>>, %arg4: memref<2x10240x128xf32, #tpu.memory_space<hbm>>, %arg5: memref<128xi32, #tpu.memory_space<vmem>>, %arg6: memref<128xi32, #tpu.memory_space<vmem>>, %arg7: memref<!tpu.dma_semaphore, #tpu.memory_space<semaphore_mem>>, %arg8: memref<!tpu.dma_semaphore, #tpu.memory_space<semaphore_mem>>, %arg9: memref<128x128xf32, #tpu.memory_space<vmem>>, %arg10: memref<128x128xf32, #tpu.memory_space<vmem>>, %arg11: memref<128xi32, #tpu.memory_space<vmem>>, %arg12: memref<128xi32, #tpu.memory_space<vmem>>, %arg13: memref<10240x128xf32, #tpu.memory_space<vmem_shared>>) attributes {dimension_semantics = [#tpu.dimension_semantics<core_parallel>, #tpu.dimension_semantics<subcore_parallel>], iteration_bounds = array<i64: 2, 16>, scalar_prefetch = 0 : i64, scratch_operands = 9 : i64, tpu.core_type = #tpu.core_type<sc_vector_subcore>, window_params = [{transform_indices = #map}, {transform_indices = #map}, {transform_indices = #map1}]} {
    %broadcast_in_dim3A = arith.constant 0.000000e+00 : f32
    %broadcast_in_dim3A_0 = vector.broadcast %broadcast_in_dim3A : f32 to vector<16xf32>
    %scan3A = arith.constant 0 : i32
    %scan3A_1 = arith.constant 0 : i32
    %scan3A_2 = arith.constant 1024 : i32
    %scan3A_3 = arith.addi %scan3A_1, %scan3A_2 : i32
    %scan3A_4 = arith.constant 1 : i32
    %scan3A_5 = scf.for %scan3A_70 = %scan3A_1 to %scan3A_3 step %scan3A_4 iter_args(%scan3A_71 = %scan3A) -> (i32)  : i32 {
      %jit3A_72 = arith.constant 8 : i32
      %div3A_73 = arith.divsi %scan3A_70, %jit3A_72 : i32
      %sign3A_74 = arith.constant 0 : i32
      %sign3A_75 = arith.cmpi sgt, %scan3A_70, %sign3A_74 : i32
      %sign3A_76 = arith.extui %sign3A_75 : i1 to i32
      %sign3A_77 = arith.constant 0 : i32
      %sign3A_78 = arith.cmpi slt, %scan3A_70, %sign3A_77 : i32
      %sign3A_79 = arith.extui %sign3A_78 : i1 to i32
      %sign3A_80 = arith.subi %sign3A_76, %sign3A_79 : i32
      %sign3A_81 = arith.constant 0 : i32
      %sign3A_82 = arith.cmpi sgt, %jit3A_72, %sign3A_81 : i32
      %sign3A_83 = arith.extui %sign3A_82 : i1 to i32
      %sign3A_84 = arith.constant 0 : i32
      %sign3A_85 = arith.cmpi slt, %jit3A_72, %sign3A_84 : i32
      %sign3A_86 = arith.extui %sign3A_85 : i1 to i32
      %sign3A_87 = arith.subi %sign3A_83, %sign3A_86 : i32
      %ne3A_88 = arith.cmpi ne, %sign3A_80, %sign3A_87 : i32
      %rem3A_89 = arith.remsi %scan3A_70, %jit3A_72 : i32
      %ne3A_90 = arith.constant 0 : i32
      %ne3A_91 = arith.cmpi ne, %rem3A_89, %ne3A_90 : i32
      %and3A_92 = arith.andi %ne3A_88, %ne3A_91 : i1
      %sub3A_93 = arith.constant 1 : i32
      %sub3A_94 = arith.subi %div3A_73, %sub3A_93 : i32
      %select_n3A_95 = arith.select %and3A_92, %sub3A_94, %div3A_73 : i32
      %jit3A_96 = arith.constant 8 : i32
      %eq3A_97 = arith.constant 0 : i32
      %eq3A_98 = arith.cmpi eq, %jit3A_96, %eq3A_97 : i32
      %jit3A_99 = arith.constant 1 : i32
      %select_n3A_100 = arith.select %eq3A_98, %jit3A_99, %jit3A_96 : i32
      %rem3A_101 = arith.remsi %scan3A_70, %select_n3A_100 : i32
      %ne3A_102 = arith.constant 0 : i32
      %ne3A_103 = arith.cmpi ne, %rem3A_101, %ne3A_102 : i32
      %lt3A_104 = arith.constant 0 : i32
      %lt3A_105 = arith.cmpi slt, %rem3A_101, %lt3A_104 : i32
      %lt3A_106 = arith.constant 0 : i32
      %lt3A_107 = arith.cmpi slt, %select_n3A_100, %lt3A_106 : i32
      %ne3A_108 = arith.xori %lt3A_105, %lt3A_107 : i1
      %and3A_109 = arith.andi %ne3A_108, %ne3A_103 : i1
      %add3A_110 = arith.addi %rem3A_101, %select_n3A_100 : i32
      %select_n3A_111 = arith.select %and3A_109, %add3A_110, %rem3A_101 : i32
      %mul3A_112 = arith.constant 16 : i32
      %mul3A_113 = arith.muli %select_n3A_111, %mul3A_112 : i32
      %swap3A = arith.index_cast %select_n3A_95 : i32 to index
      %swap3A_114 = arith.index_cast %mul3A_113 : i32 to index
      %swap3A_115 = tpu.vector_load %arg9[%swap3A, %swap3A_114] {strides = array<i32>} : memref<128x128xf32, #tpu.memory_space<vmem>>, vector<1x16xf32>,
      %swap3A_116 = vector.shape_cast %swap3A_115 : vector<1x16xf32> to vector<16xf32>
      %swap3A_117 = vector.shape_cast %broadcast_in_dim3A_0 : vector<16xf32> to vector<1x16xf32>
      tpu.vector_store %arg9[%swap3A, %swap3A_114], %swap3A_117 {strides = array<i32>} : memref<128x128xf32, #tpu.memory_space<vmem>>, vector<1x16xf32>,
      %scan3A_118 = arith.constant 0 : i32
      scf.yield %scan3A_118 : i32
    }
    %scan3A_6 = arith.constant 1024 : i32
    %mul3A = arith.constant 640 : i32
    %mul3A_7 = arith.muli %arg1, %mul3A : i32
    %scan3A_8 = arith.constant 0 : i32
    %scan3A_9 = arith.constant 0 : i32
    %scan3A_10 = arith.constant 5 : i32
    %scan3A_11 = arith.addi %scan3A_9, %scan3A_10 : i32
    %scan3A_12 = arith.constant 1 : i32
    %scan3A_13 = scf.for %scan3A_70 = %scan3A_9 to %scan3A_11 step %scan3A_12 iter_args(%scan3A_71 = %scan3A_8) -> (i32)  : i32 {
      %mul3A_72 = arith.constant 128 : i32
      %mul3A_73 = arith.muli %scan3A_70, %mul3A_72 : i32
      %add3A_74 = arith.addi %mul3A_7, %mul3A_73 : i32
      "tpu.region"() ({
        %run_scoped3A_76 = tpu.sem_alloc : memref<!tpu.dma_semaphore, #tpu.memory_space<semaphore_mem>>
        %dma_start3A_77 = arith.constant 0 : i32
        %dma_start3A_78 = tpu.memref_slice %arg13[%add3A_74, %dma_start3A_77] : memref<10240x128xf32, #tpu.memory_space<vmem_shared>> -> memref<128x128xf32, #tpu.memory_space<vmem_shared>>
        %dma_start3A_79 = arith.constant 0 : i32
        %dma_start3A_80 = tpu.memref_slice %arg13[%add3A_74, %dma_start3A_79] : memref<10240x128xf32, #tpu.memory_space<vmem_shared>> -> memref<128x128xf32, #tpu.memory_space<vmem_shared>>
        tpu.enqueue_dma source(%arg9 : memref<128x128xf32, #tpu.memory_space<vmem>>) target(%dma_start3A_80 : memref<128x128xf32, #tpu.memory_space<vmem_shared>>) target_semaphore(%run_scoped3A_76 : memref<!tpu.dma_semaphore, #tpu.memory_space<semaphore_mem>>)
        %dma_wait3A = arith.constant 0 : i32
        %dma_wait3A_81 = tpu.memref_slice %arg13[%add3A_74, %dma_wait3A] : memref<10240x128xf32, #tpu.memory_space<vmem_shared>> -> memref<128x128xf32, #tpu.memory_space<vmem_shared>>
        %dma_wait3A_82 = arith.constant 0 : i32
        %dma_wait3A_83 = tpu.memref_slice %arg13[%add3A_74, %dma_wait3A_82] : memref<10240x128xf32, #tpu.memory_space<vmem_shared>> -> memref<128x128xf32, #tpu.memory_space<vmem_shared>>
        tpu.wait_dma2 semaphore(%run_scoped3A_76 : memref<!tpu.dma_semaphore, #tpu.memory_space<semaphore_mem>>) src(%arg9 : memref<128x128xf32, #tpu.memory_space<vmem>>) dst(%dma_wait3A_83 : memref<128x128xf32, #tpu.memory_space<vmem_shared>>)
        tpu.yield
      }) : () -> ()
      %scan3A_75 = arith.constant 0 : i32
      scf.yield %scan3A_75 : i32
    }
    %scan3A_14 = arith.constant 5 : i32
    %barrier3A = arith.constant 0 : index
    tpu.barrier barrier_id(%barrier3A)
    %eq3A = arith.constant 0 : i32
    %eq3A_15 = arith.cmpi eq, %arg0, %eq3A : i32
    %lt3A = arith.constant 4 : i32
    %lt3A_16 = arith.cmpi slt, %arg1, %lt3A : i32
    %convert_element_type3A = arith.extui %lt3A_16 : i1 to i32
    %add3A = arith.constant 78 : i32
    %add3A_17 = arith.addi %add3A, %convert_element_type3A : i32
    %jit3A = arith.constant 78 : i32
    %select_n3A = arith.select %eq3A_15, %add3A_17, %jit3A : i32
    %eq3A_18 = arith.constant 0 : i32
    %eq3A_19 = arith.cmpi eq, %arg0, %eq3A_18 : i32
    %mul3A_20 = arith.constant 78 : i32
    %mul3A_21 = arith.muli %arg1, %mul3A_20 : i32
    %min3A = arith.constant 4 : i32
    %min3A_22 = arith.minsi %arg1, %min3A : i32
    %add3A_23 = arith.addi %mul3A_21, %min3A_22 : i32
    %mul3A_24 = arith.constant 78 : i32
    %mul3A_25 = arith.muli %arg1, %mul3A_24 : i32
    %add3A_26 = arith.constant 1252 : i32
    %add3A_27 = arith.addi %add3A_26, %mul3A_25 : i32
    %select_n3A_28 = arith.select %eq3A_19, %add3A_23, %add3A_27 : i32
    %broadcast_in_dim3A_29 = arith.constant 1.000000e+00 : f32
    %broadcast_in_dim3A_30 = vector.broadcast %broadcast_in_dim3A_29 : f32 to vector<16xf32>
    %add3A_31 = arith.constant 0 : i32
    %add3A_32 = arith.addi %select_n3A_28, %add3A_31 : i32
    %mul3A_33 = arith.constant 128 : i32
    %mul3A_34 = arith.muli %add3A_32, %mul3A_33 : i32
    %run_scoped3A = arith.constant 0 : i32
    "tpu.region"() ({
      %run_scoped3A_70 = tpu.sem_alloc : memref<!tpu.dma_semaphore, #tpu.memory_space<semaphore_mem>>
      %dma_start3A_71 = tpu.memref_slice %arg2[%run_scoped3A, %mul3A_34] : memref<2x320000xi32, #tpu.memory_space<hbm>> -> memref<1x128xi32, #tpu.memory_space<hbm>>
      %dma_start3A_72 = tpu.memref_squeeze %dma_start3A_71 : memref<1x128xi32, #tpu.memory_space<hbm>> -> memref<128xi32, #tpu.memory_space<hbm>>
      %dma_start3A_73 = tpu.memref_slice %arg2[%run_scoped3A, %mul3A_34] : memref<2x320000xi32, #tpu.memory_space<hbm>> -> memref<1x128xi32, #tpu.memory_space<hbm>>
      %dma_start3A_74 = tpu.memref_squeeze %dma_start3A_73 : memref<1x128xi32, #tpu.memory_space<hbm>> -> memref<128xi32, #tpu.memory_space<hbm>>
      tpu.enqueue_dma source(%dma_start3A_74 : memref<128xi32, #tpu.memory_space<hbm>>) target(%arg11 : memref<128xi32, #tpu.memory_space<vmem>>) target_semaphore(%run_scoped3A_70 : memref<!tpu.dma_semaphore, #tpu.memory_space<semaphore_mem>>)
      %dma_wait3A = tpu.memref_slice %arg2[%run_scoped3A, %mul3A_34] : memref<2x320000xi32, #tpu.memory_space<hbm>> -> memref<1x128xi32, #tpu.memory_space<hbm>>
      %dma_wait3A_75 = tpu.memref_squeeze %dma_wait3A : memref<1x128xi32, #tpu.memory_space<hbm>> -> memref<128xi32, #tpu.memory_space<hbm>>
      %dma_wait3A_76 = tpu.memref_slice %arg2[%run_scoped3A, %mul3A_34] : memref<2x320000xi32, #tpu.memory_space<hbm>> -> memref<1x128xi32, #tpu.memory_space<hbm>>
      %dma_wait3A_77 = tpu.memref_squeeze %dma_wait3A_76 : memref<1x128xi32, #tpu.memory_space<hbm>> -> memref<128xi32, #tpu.memory_space<hbm>>
      tpu.wait_dma2 semaphore(%run_scoped3A_70 : memref<!tpu.dma_semaphore, #tpu.memory_space<semaphore_mem>>) src(%dma_wait3A_77 : memref<128xi32, #tpu.memory_space<hbm>>) dst(%arg11 : memref<128xi32, #tpu.memory_space<vmem>>)
      tpu.yield
    }) : () -> ()
    %run_scoped3A_35 = arith.constant 1 : i32
    "tpu.region"() ({
      %run_scoped3A_70 = tpu.sem_alloc : memref<!tpu.dma_semaphore, #tpu.memory_space<semaphore_mem>>
      %dma_start3A_71 = tpu.memref_slice %arg2[%run_scoped3A_35, %mul3A_34] : memref<2x320000xi32, #tpu.memory_space<hbm>> -> memref<1x128xi32, #tpu.memory_space<hbm>>
      %dma_start3A_72 = tpu.memref_squeeze %dma_start3A_71 : memref<1x128xi32, #tpu.memory_space<hbm>> -> memref<128xi32, #tpu.memory_space<hbm>>
      %dma_start3A_73 = tpu.memref_slice %arg2[%run_scoped3A_35, %mul3A_34] : memref<2x320000xi32, #tpu.memory_space<hbm>> -> memref<1x128xi32, #tpu.memory_space<hbm>>
      %dma_start3A_74 = tpu.memref_squeeze %dma_start3A_73 : memref<1x128xi32, #tpu.memory_space<hbm>> -> memref<128xi32, #tpu.memory_space<hbm>>
      tpu.enqueue_dma source(%dma_start3A_74 : memref<128xi32, #tpu.memory_space<hbm>>) target(%arg5 : memref<128xi32, #tpu.memory_space<vmem>>) target_semaphore(%run_scoped3A_70 : memref<!tpu.dma_semaphore, #tpu.memory_space<semaphore_mem>>)
      %dma_wait3A = tpu.memref_slice %arg2[%run_scoped3A_35, %mul3A_34] : memref<2x320000xi32, #tpu.memory_space<hbm>> -> memref<1x128xi32, #tpu.memory_space<hbm>>
      %dma_wait3A_75 = tpu.memref_squeeze %dma_wait3A : memref<1x128xi32, #tpu.memory_space<hbm>> -> memref<128xi32, #tpu.memory_space<hbm>>
      %dma_wait3A_76 = tpu.memref_slice %arg2[%run_scoped3A_35, %mul3A_34] : memref<2x320000xi32, #tpu.memory_space<hbm>> -> memref<1x128xi32, #tpu.memory_space<hbm>>
      %dma_wait3A_77 = tpu.memref_squeeze %dma_wait3A_76 : memref<1x128xi32, #tpu.memory_space<hbm>> -> memref<128xi32, #tpu.memory_space<hbm>>
      tpu.wait_dma2 semaphore(%run_scoped3A_70 : memref<!tpu.dma_semaphore, #tpu.memory_space<semaphore_mem>>) src(%dma_wait3A_77 : memref<128xi32, #tpu.memory_space<hbm>>) dst(%arg5 : memref<128xi32, #tpu.memory_space<vmem>>)
      tpu.yield
    }) : () -> ()
    %dma_start3A = arith.constant 0 : i32
    %dma_start3A_36 = arith.constant 0 : i32
    %dma_start3A_37 = tpu.memref_slice %arg3[%dma_start3A, %dma_start3A_36] : memref<10000x128xf32, #tpu.memory_space<hbm>> -> memref<10000x128xf32, #tpu.memory_space<hbm>>
    tpu.enqueue_indirect_dma source(%dma_start3A_37 : memref<10000x128xf32, #tpu.memory_space<hbm>>) target(%arg9 : memref<128x128xf32, #tpu.memory_space<vmem>>) offsets(%arg11 : memref<128xi32, #tpu.memory_space<vmem>>) semaphore(%arg7 : memref<!tpu.dma_semaphore, #tpu.memory_space<semaphore_mem>>)
    %add3A_38 = arith.constant 1 : i32
    %add3A_39 = arith.addi %select_n3A, %add3A_38 : i32
    %jit3A_40 = arith.constant 2 : i32
    %div3A = arith.divsi %add3A_39, %jit3A_40 : i32
    %sign3A = arith.constant 0 : i32
    %sign3A_41 = arith.cmpi sgt, %add3A_39, %sign3A : i32
    %sign3A_42 = arith.extui %sign3A_41 : i1 to i32
    %sign3A_43 = arith.constant 0 : i32
    %sign3A_44 = arith.cmpi slt, %add3A_39, %sign3A_43 : i32
    %sign3A_45 = arith.extui %sign3A_44 : i1 to i32
    %sign3A_46 = arith.subi %sign3A_42, %sign3A_45 : i32
    %sign3A_47 = arith.constant 0 : i32
    %sign3A_48 = arith.cmpi sgt, %jit3A_40, %sign3A_47 : i32
    %sign3A_49 = arith.extui %sign3A_48 : i1 to i32
    %sign3A_50 = arith.constant 0 : i32
    %sign3A_51 = arith.cmpi slt, %jit3A_40, %sign3A_50 : i32
    %sign3A_52 = arith.extui %sign3A_51 : i1 to i32
    %sign3A_53 = arith.subi %sign3A_49, %sign3A_52 : i32
    %ne3A = arith.cmpi ne, %sign3A_46, %sign3A_53 : i32
    %rem3A = arith.remsi %add3A_39, %jit3A_40 : i32
    %ne3A_54 = arith.constant 0 : i32
    %ne3A_55 = arith.cmpi ne, %rem3A, %ne3A_54 : i32
    %and3A = arith.andi %ne3A, %ne3A_55 : i1
    %sub3A = arith.constant 1 : i32
    %sub3A_56 = arith.subi %div3A, %sub3A : i32
    %select_n3A_57 = arith.select %and3A, %sub3A_56, %div3A : i32
    %while3A = arith.constant 0 : i32
    %while3A_58 = arith.constant 0 : i32
    %while3A_59 = arith.subi %select_n3A_57, %while3A : i32
    %while3A_60 = arith.addi %while3A, %while3A_59 : i32
    %while3A_61 = arith.constant 1 : i32
    %while3A_62 = arith.divsi %while3A_59, %while3A_61 : i32
    %while3A_63 = arith.muli %while3A_62, %while3A_61 : i32
    %while3A_64 = arith.addi %while3A, %while3A_63 : i32
    %while3A_65 = arith.constant 1 : i32
    %while3A_66 = scf.for %while3A_70 = %while3A to %while3A_64 step %while3A_65 iter_args(%while3A_71 = %while3A_58) -> (i32)  : i32 {
      %mul3A_72 = arith.constant 2 : i32
      %mul3A_73 = arith.muli %mul3A_72, %while3A_70 : i32
      %add3A_74 = arith.constant 1 : i32
      %add3A_75 = arith.addi %mul3A_73, %add3A_74 : i32
      %lt3A_76 = arith.cmpi slt, %add3A_75, %select_n3A : i32
      %convert_element_type3A_77 = arith.extui %lt3A_76 : i1 to i32
      %cond3A = arith.constant 0 : i32
      %cond3A_78 = arith.cmpi ne, %convert_element_type3A_77, %cond3A : i32
      scf.if %cond3A_78 {
        %add3A_88 = arith.constant 1 : i32
        %add3A_89 = arith.addi %mul3A_73, %add3A_88 : i32
        %add3A_90 = arith.addi %select_n3A_28, %add3A_89 : i32
        %mul3A_91 = arith.constant 128 : i32
        %mul3A_92 = arith.muli %add3A_90, %mul3A_91 : i32
        %run_scoped3A_93 = arith.constant 0 : i32
        "tpu.region"() ({
          %run_scoped3A_98 = tpu.sem_alloc : memref<!tpu.dma_semaphore, #tpu.memory_space<semaphore_mem>>
          %dma_start3A_99 = tpu.memref_slice %arg2[%run_scoped3A_93, %mul3A_92] : memref<2x320000xi32, #tpu.memory_space<hbm>> -> memref<1x128xi32, #tpu.memory_space<hbm>>
          %dma_start3A_100 = tpu.memref_squeeze %dma_start3A_99 : memref<1x128xi32, #tpu.memory_space<hbm>> -> memref<128xi32, #tpu.memory_space<hbm>>
          %dma_start3A_101 = tpu.memref_slice %arg2[%run_scoped3A_93, %mul3A_92] : memref<2x320000xi32, #tpu.memory_space<hbm>> -> memref<1x128xi32, #tpu.memory_space<hbm>>
          %dma_start3A_102 = tpu.memref_squeeze %dma_start3A_101 : memref<1x128xi32, #tpu.memory_space<hbm>> -> memref<128xi32, #tpu.memory_space<hbm>>
          tpu.enqueue_dma source(%dma_start3A_102 : memref<128xi32, #tpu.memory_space<hbm>>) target(%arg12 : memref<128xi32, #tpu.memory_space<vmem>>) target_semaphore(%run_scoped3A_98 : memref<!tpu.dma_semaphore, #tpu.memory_space<semaphore_mem>>)
          %dma_wait3A_103 = tpu.memref_slice %arg2[%run_scoped3A_93, %mul3A_92] : memref<2x320000xi32, #tpu.memory_space<hbm>> -> memref<1x128xi32, #tpu.memory_space<hbm>>
          %dma_wait3A_104 = tpu.memref_squeeze %dma_wait3A_103 : memref<1x128xi32, #tpu.memory_space<hbm>> -> memref<128xi32, #tpu.memory_space<hbm>>
          %dma_wait3A_105 = tpu.memref_slice %arg2[%run_scoped3A_93, %mul3A_92] : memref<2x320000xi32, #tpu.memory_space<hbm>> -> memref<1x128xi32, #tpu.memory_space<hbm>>
          %dma_wait3A_106 = tpu.memref_squeeze %dma_wait3A_105 : memref<1x128xi32, #tpu.memory_space<hbm>> -> memref<128xi32, #tpu.memory_space<hbm>>
          tpu.wait_dma2 semaphore(%run_scoped3A_98 : memref<!tpu.dma_semaphore, #tpu.memory_space<semaphore_mem>>) src(%dma_wait3A_106 : memref<128xi32, #tpu.memory_space<hbm>>) dst(%arg12 : memref<128xi32, #tpu.memory_space<vmem>>)
          tpu.yield
        }) : () -> ()
        %run_scoped3A_94 = arith.constant 1 : i32
        "tpu.region"() ({
          %run_scoped3A_98 = tpu.sem_alloc : memref<!tpu.dma_semaphore, #tpu.memory_space<semaphore_mem>>
          %dma_start3A_99 = tpu.memref_slice %arg2[%run_scoped3A_94, %mul3A_92] : memref<2x320000xi32, #tpu.memory_space<hbm>> -> memref<1x128xi32, #tpu.memory_space<hbm>>
          %dma_start3A_100 = tpu.memref_squeeze %dma_start3A_99 : memref<1x128xi32, #tpu.memory_space<hbm>> -> memref<128xi32, #tpu.memory_space<hbm>>
          %dma_start3A_101 = tpu.memref_slice %arg2[%run_scoped3A_94, %mul3A_92] : memref<2x320000xi32, #tpu.memory_space<hbm>> -> memref<1x128xi32, #tpu.memory_space<hbm>>
          %dma_start3A_102 = tpu.memref_squeeze %dma_start3A_101 : memref<1x128xi32, #tpu.memory_space<hbm>> -> memref<128xi32, #tpu.memory_space<hbm>>
          tpu.enqueue_dma source(%dma_start3A_102 : memref<128xi32, #tpu.memory_space<hbm>>) target(%arg6 : memref<128xi32, #tpu.memory_space<vmem>>) target_semaphore(%run_scoped3A_98 : memref<!tpu.dma_semaphore, #tpu.memory_space<semaphore_mem>>)
          %dma_wait3A_103 = tpu.memref_slice %arg2[%run_scoped3A_94, %mul3A_92] : memref<2x320000xi32, #tpu.memory_space<hbm>> -> memref<1x128xi32, #tpu.memory_space<hbm>>
          %dma_wait3A_104 = tpu.memref_squeeze %dma_wait3A_103 : memref<1x128xi32, #tpu.memory_space<hbm>> -> memref<128xi32, #tpu.memory_space<hbm>>
          %dma_wait3A_105 = tpu.memref_slice %arg2[%run_scoped3A_94, %mul3A_92] : memref<2x320000xi32, #tpu.memory_space<hbm>> -> memref<1x128xi32, #tpu.memory_space<hbm>>
          %dma_wait3A_106 = tpu.memref_squeeze %dma_wait3A_105 : memref<1x128xi32, #tpu.memory_space<hbm>> -> memref<128xi32, #tpu.memory_space<hbm>>
          tpu.wait_dma2 semaphore(%run_scoped3A_98 : memref<!tpu.dma_semaphore, #tpu.memory_space<semaphore_mem>>) src(%dma_wait3A_106 : memref<128xi32, #tpu.memory_space<hbm>>) dst(%arg6 : memref<128xi32, #tpu.memory_space<vmem>>)
          tpu.yield
        }) : () -> ()
        %dma_start3A_95 = arith.constant 0 : i32
        %dma_start3A_96 = arith.constant 0 : i32
        %dma_start3A_97 = tpu.memref_slice %arg3[%dma_start3A_95, %dma_start3A_96] : memref<10000x128xf32, #tpu.memory_space<hbm>> -> memref<10000x128xf32, #tpu.memory_space<hbm>>
        tpu.enqueue_indirect_dma source(%dma_start3A_97 : memref<10000x128xf32, #tpu.memory_space<hbm>>) target(%arg10 : memref<128x128xf32, #tpu.memory_space<vmem>>) offsets(%arg12 : memref<128xi32, #tpu.memory_space<vmem>>) semaphore(%arg8 : memref<!tpu.dma_semaphore, #tpu.memory_space<semaphore_mem>>)
      } else {
      }
      %dma_wait3A = arith.constant 0 : i32
      %dma_wait3A_79 = arith.constant 0 : i32
      %dma_wait3A_80 = tpu.memref_slice %arg3[%dma_wait3A, %dma_wait3A_79] : memref<10000x128xf32, #tpu.memory_space<hbm>> -> memref<10000x128xf32, #tpu.memory_space<hbm>>
      tpu.wait_indirect_dma semaphore(%arg7 : memref<!tpu.dma_semaphore, #tpu.memory_space<semaphore_mem>>) src(%dma_wait3A_80 : memref<10000x128xf32, #tpu.memory_space<hbm>>) dst(%arg9 : memref<128x128xf32, #tpu.memory_space<vmem>>)
      "tpu.region"() ({
        %run_scoped3A_88 = tpu.sem_alloc : memref<!tpu.dma_semaphore, #tpu.memory_space<semaphore_mem>>
        %dma_start3A_89 = arith.constant 0 : i32
        %dma_start3A_90 = arith.constant 0 : i32
        %dma_start3A_91 = tpu.memref_slice %arg13[%dma_start3A_89, %dma_start3A_90] : memref<10240x128xf32, #tpu.memory_space<vmem_shared>> -> memref<10240x128xf32, #tpu.memory_space<vmem_shared>>
        tpu.enqueue_indirect_dma source(%arg9 : memref<128x128xf32, #tpu.memory_space<vmem>>) target(%dma_start3A_91 : memref<10240x128xf32, #tpu.memory_space<vmem_shared>>) offsets(%arg5 : memref<128xi32, #tpu.memory_space<vmem>>) semaphore(%run_scoped3A_88 : memref<!tpu.dma_semaphore, #tpu.memory_space<semaphore_mem>>) {add = true}
        %dma_wait3A_92 = arith.constant 0 : i32
        %dma_wait3A_93 = arith.constant 0 : i32
        %dma_wait3A_94 = tpu.memref_slice %arg13[%dma_wait3A_92, %dma_wait3A_93] : memref<10240x128xf32, #tpu.memory_space<vmem_shared>> -> memref<10240x128xf32, #tpu.memory_space<vmem_shared>>
        tpu.wait_indirect_dma semaphore(%run_scoped3A_88 : memref<!tpu.dma_semaphore, #tpu.memory_space<semaphore_mem>>) src(%arg9 : memref<128x128xf32, #tpu.memory_space<vmem>>) dst(%dma_wait3A_94 : memref<10240x128xf32, #tpu.memory_space<vmem_shared>>)
        tpu.yield
      }) : () -> ()
      %add3A_81 = arith.constant 1 : i32
      %add3A_82 = arith.addi %mul3A_73, %add3A_81 : i32
      %lt3A_83 = arith.cmpi slt, %add3A_82, %select_n3A : i32
      %convert_element_type3A_84 = arith.extui %lt3A_83 : i1 to i32
      %cond3A_85 = arith.constant 0 : i32
      %cond3A_86 = arith.cmpi ne, %convert_element_type3A_84, %cond3A_85 : i32
      scf.if %cond3A_86 {
        %add3A_88 = arith.constant 2 : i32
        %add3A_89 = arith.addi %mul3A_73, %add3A_88 : i32
        %lt3A_90 = arith.cmpi slt, %add3A_89, %select_n3A : i32
        %convert_element_type3A_91 = arith.extui %lt3A_90 : i1 to i32
        %cond3A_92 = arith.constant 0 : i32
        %cond3A_93 = arith.cmpi ne, %convert_element_type3A_91, %cond3A_92 : i32
        scf.if %cond3A_93 {
          %add3A_97 = arith.constant 2 : i32
          %add3A_98 = arith.addi %mul3A_73, %add3A_97 : i32
          %add3A_99 = arith.addi %select_n3A_28, %add3A_98 : i32
          %mul3A_100 = arith.constant 128 : i32
          %mul3A_101 = arith.muli %add3A_99, %mul3A_100 : i32
          %run_scoped3A_102 = arith.constant 0 : i32
          "tpu.region"() ({
            %run_scoped3A_107 = tpu.sem_alloc : memref<!tpu.dma_semaphore, #tpu.memory_space<semaphore_mem>>
            %dma_start3A_108 = tpu.memref_slice %arg2[%run_scoped3A_102, %mul3A_101] : memref<2x320000xi32, #tpu.memory_space<hbm>> -> memref<1x128xi32, #tpu.memory_space<hbm>>
            %dma_start3A_109 = tpu.memref_squeeze %dma_start3A_108 : memref<1x128xi32, #tpu.memory_space<hbm>> -> memref<128xi32, #tpu.memory_space<hbm>>
            %dma_start3A_110 = tpu.memref_slice %arg2[%run_scoped3A_102, %mul3A_101] : memref<2x320000xi32, #tpu.memory_space<hbm>> -> memref<1x128xi32, #tpu.memory_space<hbm>>
            %dma_start3A_111 = tpu.memref_squeeze %dma_start3A_110 : memref<1x128xi32, #tpu.memory_space<hbm>> -> memref<128xi32, #tpu.memory_space<hbm>>
            tpu.enqueue_dma source(%dma_start3A_111 : memref<128xi32, #tpu.memory_space<hbm>>) target(%arg11 : memref<128xi32, #tpu.memory_space<vmem>>) target_semaphore(%run_scoped3A_107 : memref<!tpu.dma_semaphore, #tpu.memory_space<semaphore_mem>>)
            %dma_wait3A_112 = tpu.memref_slice %arg2[%run_scoped3A_102, %mul3A_101] : memref<2x320000xi32, #tpu.memory_space<hbm>> -> memref<1x128xi32, #tpu.memory_space<hbm>>
            %dma_wait3A_113 = tpu.memref_squeeze %dma_wait3A_112 : memref<1x128xi32, #tpu.memory_space<hbm>> -> memref<128xi32, #tpu.memory_space<hbm>>
            %dma_wait3A_114 = tpu.memref_slice %arg2[%run_scoped3A_102, %mul3A_101] : memref<2x320000xi32, #tpu.memory_space<hbm>> -> memref<1x128xi32, #tpu.memory_space<hbm>>
            %dma_wait3A_115 = tpu.memref_squeeze %dma_wait3A_114 : memref<1x128xi32, #tpu.memory_space<hbm>> -> memref<128xi32, #tpu.memory_space<hbm>>
            tpu.wait_dma2 semaphore(%run_scoped3A_107 : memref<!tpu.dma_semaphore, #tpu.memory_space<semaphore_mem>>) src(%dma_wait3A_115 : memref<128xi32, #tpu.memory_space<hbm>>) dst(%arg11 : memref<128xi32, #tpu.memory_space<vmem>>)
            tpu.yield
          }) : () -> ()
          %run_scoped3A_103 = arith.constant 1 : i32
          "tpu.region"() ({
            %run_scoped3A_107 = tpu.sem_alloc : memref<!tpu.dma_semaphore, #tpu.memory_space<semaphore_mem>>
            %dma_start3A_108 = tpu.memref_slice %arg2[%run_scoped3A_103, %mul3A_101] : memref<2x320000xi32, #tpu.memory_space<hbm>> -> memref<1x128xi32, #tpu.memory_space<hbm>>
            %dma_start3A_109 = tpu.memref_squeeze %dma_start3A_108 : memref<1x128xi32, #tpu.memory_space<hbm>> -> memref<128xi32, #tpu.memory_space<hbm>>
            %dma_start3A_110 = tpu.memref_slice %arg2[%run_scoped3A_103, %mul3A_101] : memref<2x320000xi32, #tpu.memory_space<hbm>> -> memref<1x128xi32, #tpu.memory_space<hbm>>
            %dma_start3A_111 = tpu.memref_squeeze %dma_start3A_110 : memref<1x128xi32, #tpu.memory_space<hbm>> -> memref<128xi32, #tpu.memory_space<hbm>>
            tpu.enqueue_dma source(%dma_start3A_111 : memref<128xi32, #tpu.memory_space<hbm>>) target(%arg5 : memref<128xi32, #tpu.memory_space<vmem>>) target_semaphore(%run_scoped3A_107 : memref<!tpu.dma_semaphore, #tpu.memory_space<semaphore_mem>>)
            %dma_wait3A_112 = tpu.memref_slice %arg2[%run_scoped3A_103, %mul3A_101] : memref<2x320000xi32, #tpu.memory_space<hbm>> -> memref<1x128xi32, #tpu.memory_space<hbm>>
            %dma_wait3A_113 = tpu.memref_squeeze %dma_wait3A_112 : memref<1x128xi32, #tpu.memory_space<hbm>> -> memref<128xi32, #tpu.memory_space<hbm>>
            %dma_wait3A_114 = tpu.memref_slice %arg2[%run_scoped3A_103, %mul3A_101] : memref<2x320000xi32, #tpu.memory_space<hbm>> -> memref<1x128xi32, #tpu.memory_space<hbm>>
            %dma_wait3A_115 = tpu.memref_squeeze %dma_wait3A_114 : memref<1x128xi32, #tpu.memory_space<hbm>> -> memref<128xi32, #tpu.memory_space<hbm>>
            tpu.wait_dma2 semaphore(%run_scoped3A_107 : memref<!tpu.dma_semaphore, #tpu.memory_space<semaphore_mem>>) src(%dma_wait3A_115 : memref<128xi32, #tpu.memory_space<hbm>>) dst(%arg5 : memref<128xi32, #tpu.memory_space<vmem>>)
            tpu.yield
          }) : () -> ()
          %dma_start3A_104 = arith.constant 0 : i32
          %dma_start3A_105 = arith.constant 0 : i32
          %dma_start3A_106 = tpu.memref_slice %arg3[%dma_start3A_104, %dma_start3A_105] : memref<10000x128xf32, #tpu.memory_space<hbm>> -> memref<10000x128xf32, #tpu.memory_space<hbm>>
          tpu.enqueue_indirect_dma source(%dma_start3A_106 : memref<10000x128xf32, #tpu.memory_space<hbm>>) target(%arg9 : memref<128x128xf32, #tpu.memory_space<vmem>>) offsets(%arg11 : memref<128xi32, #tpu.memory_space<vmem>>) semaphore(%arg7 : memref<!tpu.dma_semaphore, #tpu.memory_space<semaphore_mem>>)
        } else {
        }
        %dma_wait3A_94 = arith.constant 0 : i32
        %dma_wait3A_95 = arith.constant 0 : i32
        %dma_wait3A_96 = tpu.memref_slice %arg3[%dma_wait3A_94, %dma_wait3A_95] : memref<10000x128xf32, #tpu.memory_space<hbm>> -> memref<10000x128xf32, #tpu.memory_space<hbm>>
        tpu.wait_indirect_dma semaphore(%arg8 : memref<!tpu.dma_semaphore, #tpu.memory_space<semaphore_mem>>) src(%dma_wait3A_96 : memref<10000x128xf32, #tpu.memory_space<hbm>>) dst(%arg10 : memref<128x128xf32, #tpu.memory_space<vmem>>)
        "tpu.region"() ({
          %run_scoped3A_97 = tpu.sem_alloc : memref<!tpu.dma_semaphore, #tpu.memory_space<semaphore_mem>>
          %dma_start3A_98 = arith.constant 0 : i32
          %dma_start3A_99 = arith.constant 0 : i32
          %dma_start3A_100 = tpu.memref_slice %arg13[%dma_start3A_98, %dma_start3A_99] : memref<10240x128xf32, #tpu.memory_space<vmem_shared>> -> memref<10240x128xf32, #tpu.memory_space<vmem_shared>>
          tpu.enqueue_indirect_dma source(%arg10 : memref<128x128xf32, #tpu.memory_space<vmem>>) target(%dma_start3A_100 : memref<10240x128xf32, #tpu.memory_space<vmem_shared>>) offsets(%arg6 : memref<128xi32, #tpu.memory_space<vmem>>) semaphore(%run_scoped3A_97 : memref<!tpu.dma_semaphore, #tpu.memory_space<semaphore_mem>>) {add = true}
          %dma_wait3A_101 = arith.constant 0 : i32
          %dma_wait3A_102 = arith.constant 0 : i32
          %dma_wait3A_103 = tpu.memref_slice %arg13[%dma_wait3A_101, %dma_wait3A_102] : memref<10240x128xf32, #tpu.memory_space<vmem_shared>> -> memref<10240x128xf32, #tpu.memory_space<vmem_shared>>
          tpu.wait_indirect_dma semaphore(%run_scoped3A_97 : memref<!tpu.dma_semaphore, #tpu.memory_space<semaphore_mem>>) src(%arg10 : memref<128x128xf32, #tpu.memory_space<vmem>>) dst(%dma_wait3A_103 : memref<10240x128xf32, #tpu.memory_space<vmem_shared>>)
          tpu.yield
        }) : () -> ()
      } else {
      }
      %while3A_87 = arith.constant 0 : i32
      scf.yield %while3A_87 : i32
    }
    %while3A_67 = arith.constant 1 : i32
    %while3A_68 = scf.for %while3A_70 = %while3A_64 to %while3A_60 step %while3A_67 iter_args(%while3A_71 = %while3A_66) -> (i32)  : i32 {
      %mul3A_72 = arith.constant 2 : i32
      %mul3A_73 = arith.muli %mul3A_72, %while3A_70 : i32
      %add3A_74 = arith.constant 1 : i32
      %add3A_75 = arith.addi %mul3A_73, %add3A_74 : i32
      %lt3A_76 = arith.cmpi slt, %add3A_75, %select_n3A : i32
      %convert_element_type3A_77 = arith.extui %lt3A_76 : i1 to i32
      %cond3A = arith.constant 0 : i32
      %cond3A_78 = arith.cmpi ne, %convert_element_type3A_77, %cond3A : i32
      scf.if %cond3A_78 {
        %add3A_88 = arith.constant 1 : i32
        %add3A_89 = arith.addi %mul3A_73, %add3A_88 : i32
        %add3A_90 = arith.addi %select_n3A_28, %add3A_89 : i32
        %mul3A_91 = arith.constant 128 : i32
        %mul3A_92 = arith.muli %add3A_90, %mul3A_91 : i32
        %run_scoped3A_93 = arith.constant 0 : i32
        "tpu.region"() ({
          %run_scoped3A_98 = tpu.sem_alloc : memref<!tpu.dma_semaphore, #tpu.memory_space<semaphore_mem>>
          %dma_start3A_99 = tpu.memref_slice %arg2[%run_scoped3A_93, %mul3A_92] : memref<2x320000xi32, #tpu.memory_space<hbm>> -> memref<1x128xi32, #tpu.memory_space<hbm>>
          %dma_start3A_100 = tpu.memref_squeeze %dma_start3A_99 : memref<1x128xi32, #tpu.memory_space<hbm>> -> memref<128xi32, #tpu.memory_space<hbm>>
          %dma_start3A_101 = tpu.memref_slice %arg2[%run_scoped3A_93, %mul3A_92] : memref<2x320000xi32, #tpu.memory_space<hbm>> -> memref<1x128xi32, #tpu.memory_space<hbm>>
          %dma_start3A_102 = tpu.memref_squeeze %dma_start3A_101 : memref<1x128xi32, #tpu.memory_space<hbm>> -> memref<128xi32, #tpu.memory_space<hbm>>
          tpu.enqueue_dma source(%dma_start3A_102 : memref<128xi32, #tpu.memory_space<hbm>>) target(%arg12 : memref<128xi32, #tpu.memory_space<vmem>>) target_semaphore(%run_scoped3A_98 : memref<!tpu.dma_semaphore, #tpu.memory_space<semaphore_mem>>)
          %dma_wait3A_103 = tpu.memref_slice %arg2[%run_scoped3A_93, %mul3A_92] : memref<2x320000xi32, #tpu.memory_space<hbm>> -> memref<1x128xi32, #tpu.memory_space<hbm>>
          %dma_wait3A_104 = tpu.memref_squeeze %dma_wait3A_103 : memref<1x128xi32, #tpu.memory_space<hbm>> -> memref<128xi32, #tpu.memory_space<hbm>>
          %dma_wait3A_105 = tpu.memref_slice %arg2[%run_scoped3A_93, %mul3A_92] : memref<2x320000xi32, #tpu.memory_space<hbm>> -> memref<1x128xi32, #tpu.memory_space<hbm>>
          %dma_wait3A_106 = tpu.memref_squeeze %dma_wait3A_105 : memref<1x128xi32, #tpu.memory_space<hbm>> -> memref<128xi32, #tpu.memory_space<hbm>>
          tpu.wait_dma2 semaphore(%run_scoped3A_98 : memref<!tpu.dma_semaphore, #tpu.memory_space<semaphore_mem>>) src(%dma_wait3A_106 : memref<128xi32, #tpu.memory_space<hbm>>) dst(%arg12 : memref<128xi32, #tpu.memory_space<vmem>>)
          tpu.yield
        }) : () -> ()
        %run_scoped3A_94 = arith.constant 1 : i32
        "tpu.region"() ({
          %run_scoped3A_98 = tpu.sem_alloc : memref<!tpu.dma_semaphore, #tpu.memory_space<semaphore_mem>>
          %dma_start3A_99 = tpu.memref_slice %arg2[%run_scoped3A_94, %mul3A_92] : memref<2x320000xi32, #tpu.memory_space<hbm>> -> memref<1x128xi32, #tpu.memory_space<hbm>>
          %dma_start3A_100 = tpu.memref_squeeze %dma_start3A_99 : memref<1x128xi32, #tpu.memory_space<hbm>> -> memref<128xi32, #tpu.memory_space<hbm>>
          %dma_start3A_101 = tpu.memref_slice %arg2[%run_scoped3A_94, %mul3A_92] : memref<2x320000xi32, #tpu.memory_space<hbm>> -> memref<1x128xi32, #tpu.memory_space<hbm>>
          %dma_start3A_102 = tpu.memref_squeeze %dma_start3A_101 : memref<1x128xi32, #tpu.memory_space<hbm>> -> memref<128xi32, #tpu.memory_space<hbm>>
          tpu.enqueue_dma source(%dma_start3A_102 : memref<128xi32, #tpu.memory_space<hbm>>) target(%arg6 : memref<128xi32, #tpu.memory_space<vmem>>) target_semaphore(%run_scoped3A_98 : memref<!tpu.dma_semaphore, #tpu.memory_space<semaphore_mem>>)
          %dma_wait3A_103 = tpu.memref_slice %arg2[%run_scoped3A_94, %mul3A_92] : memref<2x320000xi32, #tpu.memory_space<hbm>> -> memref<1x128xi32, #tpu.memory_space<hbm>>
          %dma_wait3A_104 = tpu.memref_squeeze %dma_wait3A_103 : memref<1x128xi32, #tpu.memory_space<hbm>> -> memref<128xi32, #tpu.memory_space<hbm>>
          %dma_wait3A_105 = tpu.memref_slice %arg2[%run_scoped3A_94, %mul3A_92] : memref<2x320000xi32, #tpu.memory_space<hbm>> -> memref<1x128xi32, #tpu.memory_space<hbm>>
          %dma_wait3A_106 = tpu.memref_squeeze %dma_wait3A_105 : memref<1x128xi32, #tpu.memory_space<hbm>> -> memref<128xi32, #tpu.memory_space<hbm>>
          tpu.wait_dma2 semaphore(%run_scoped3A_98 : memref<!tpu.dma_semaphore, #tpu.memory_space<semaphore_mem>>) src(%dma_wait3A_106 : memref<128xi32, #tpu.memory_space<hbm>>) dst(%arg6 : memref<128xi32, #tpu.memory_space<vmem>>)
          tpu.yield
        }) : () -> ()
        %dma_start3A_95 = arith.constant 0 : i32
        %dma_start3A_96 = arith.constant 0 : i32
        %dma_start3A_97 = tpu.memref_slice %arg3[%dma_start3A_95, %dma_start3A_96] : memref<10000x128xf32, #tpu.memory_space<hbm>> -> memref<10000x128xf32, #tpu.memory_space<hbm>>
        tpu.enqueue_indirect_dma source(%dma_start3A_97 : memref<10000x128xf32, #tpu.memory_space<hbm>>) target(%arg10 : memref<128x128xf32, #tpu.memory_space<vmem>>) offsets(%arg12 : memref<128xi32, #tpu.memory_space<vmem>>) semaphore(%arg8 : memref<!tpu.dma_semaphore, #tpu.memory_space<semaphore_mem>>)
      } else {
      }
      %dma_wait3A = arith.constant 0 : i32
      %dma_wait3A_79 = arith.constant 0 : i32
      %dma_wait3A_80 = tpu.memref_slice %arg3[%dma_wait3A, %dma_wait3A_79] : memref<10000x128xf32, #tpu.memory_space<hbm>> -> memref<10000x128xf32, #tpu.memory_space<hbm>>
      tpu.wait_indirect_dma semaphore(%arg7 : memref<!tpu.dma_semaphore, #tpu.memory_space<semaphore_mem>>) src(%dma_wait3A_80 : memref<10000x128xf32, #tpu.memory_space<hbm>>) dst(%arg9 : memref<128x128xf32, #tpu.memory_space<vmem>>)
      "tpu.region"() ({
        %run_scoped3A_88 = tpu.sem_alloc : memref<!tpu.dma_semaphore, #tpu.memory_space<semaphore_mem>>
        %dma_start3A_89 = arith.constant 0 : i32
        %dma_start3A_90 = arith.constant 0 : i32
        %dma_start3A_91 = tpu.memref_slice %arg13[%dma_start3A_89, %dma_start3A_90] : memref<10240x128xf32, #tpu.memory_space<vmem_shared>> -> memref<10240x128xf32, #tpu.memory_space<vmem_shared>>
        tpu.enqueue_indirect_dma source(%arg9 : memref<128x128xf32, #tpu.memory_space<vmem>>) target(%dma_start3A_91 : memref<10240x128xf32, #tpu.memory_space<vmem_shared>>) offsets(%arg5 : memref<128xi32, #tpu.memory_space<vmem>>) semaphore(%run_scoped3A_88 : memref<!tpu.dma_semaphore, #tpu.memory_space<semaphore_mem>>) {add = true}
        %dma_wait3A_92 = arith.constant 0 : i32
        %dma_wait3A_93 = arith.constant 0 : i32
        %dma_wait3A_94 = tpu.memref_slice %arg13[%dma_wait3A_92, %dma_wait3A_93] : memref<10240x128xf32, #tpu.memory_space<vmem_shared>> -> memref<10240x128xf32, #tpu.memory_space<vmem_shared>>
        tpu.wait_indirect_dma semaphore(%run_scoped3A_88 : memref<!tpu.dma_semaphore, #tpu.memory_space<semaphore_mem>>) src(%arg9 : memref<128x128xf32, #tpu.memory_space<vmem>>) dst(%dma_wait3A_94 : memref<10240x128xf32, #tpu.memory_space<vmem_shared>>)
        tpu.yield
      }) : () -> ()
      %add3A_81 = arith.constant 1 : i32
      %add3A_82 = arith.addi %mul3A_73, %add3A_81 : i32
      %lt3A_83 = arith.cmpi slt, %add3A_82, %select_n3A : i32
      %convert_element_type3A_84 = arith.extui %lt3A_83 : i1 to i32
      %cond3A_85 = arith.constant 0 : i32
      %cond3A_86 = arith.cmpi ne, %convert_element_type3A_84, %cond3A_85 : i32
      scf.if %cond3A_86 {
        %add3A_88 = arith.constant 2 : i32
        %add3A_89 = arith.addi %mul3A_73, %add3A_88 : i32
        %lt3A_90 = arith.cmpi slt, %add3A_89, %select_n3A : i32
        %convert_element_type3A_91 = arith.extui %lt3A_90 : i1 to i32
        %cond3A_92 = arith.constant 0 : i32
        %cond3A_93 = arith.cmpi ne, %convert_element_type3A_91, %cond3A_92 : i32
        scf.if %cond3A_93 {
          %add3A_97 = arith.constant 2 : i32
          %add3A_98 = arith.addi %mul3A_73, %add3A_97 : i32
          %add3A_99 = arith.addi %select_n3A_28, %add3A_98 : i32
          %mul3A_100 = arith.constant 128 : i32
          %mul3A_101 = arith.muli %add3A_99, %mul3A_100 : i32
          %run_scoped3A_102 = arith.constant 0 : i32
          "tpu.region"() ({
            %run_scoped3A_107 = tpu.sem_alloc : memref<!tpu.dma_semaphore, #tpu.memory_space<semaphore_mem>>
            %dma_start3A_108 = tpu.memref_slice %arg2[%run_scoped3A_102, %mul3A_101] : memref<2x320000xi32, #tpu.memory_space<hbm>> -> memref<1x128xi32, #tpu.memory_space<hbm>>
            %dma_start3A_109 = tpu.memref_squeeze %dma_start3A_108 : memref<1x128xi32, #tpu.memory_space<hbm>> -> memref<128xi32, #tpu.memory_space<hbm>>
            %dma_start3A_110 = tpu.memref_slice %arg2[%run_scoped3A_102, %mul3A_101] : memref<2x320000xi32, #tpu.memory_space<hbm>> -> memref<1x128xi32, #tpu.memory_space<hbm>>
            %dma_start3A_111 = tpu.memref_squeeze %dma_start3A_110 : memref<1x128xi32, #tpu.memory_space<hbm>> -> memref<128xi32, #tpu.memory_space<hbm>>
            tpu.enqueue_dma source(%dma_start3A_111 : memref<128xi32, #tpu.memory_space<hbm>>) target(%arg11 : memref<128xi32, #tpu.memory_space<vmem>>) target_semaphore(%run_scoped3A_107 : memref<!tpu.dma_semaphore, #tpu.memory_space<semaphore_mem>>)
            %dma_wait3A_112 = tpu.memref_slice %arg2[%run_scoped3A_102, %mul3A_101] : memref<2x320000xi32, #tpu.memory_space<hbm>> -> memref<1x128xi32, #tpu.memory_space<hbm>>
            %dma_wait3A_113 = tpu.memref_squeeze %dma_wait3A_112 : memref<1x128xi32, #tpu.memory_space<hbm>> -> memref<128xi32, #tpu.memory_space<hbm>>
            %dma_wait3A_114 = tpu.memref_slice %arg2[%run_scoped3A_102, %mul3A_101] : memref<2x320000xi32, #tpu.memory_space<hbm>> -> memref<1x128xi32, #tpu.memory_space<hbm>>
            %dma_wait3A_115 = tpu.memref_squeeze %dma_wait3A_114 : memref<1x128xi32, #tpu.memory_space<hbm>> -> memref<128xi32, #tpu.memory_space<hbm>>
            tpu.wait_dma2 semaphore(%run_scoped3A_107 : memref<!tpu.dma_semaphore, #tpu.memory_space<semaphore_mem>>) src(%dma_wait3A_115 : memref<128xi32, #tpu.memory_space<hbm>>) dst(%arg11 : memref<128xi32, #tpu.memory_space<vmem>>)
            tpu.yield
          }) : () -> ()
          %run_scoped3A_103 = arith.constant 1 : i32
          "tpu.region"() ({
            %run_scoped3A_107 = tpu.sem_alloc : memref<!tpu.dma_semaphore, #tpu.memory_space<semaphore_mem>>
            %dma_start3A_108 = tpu.memref_slice %arg2[%run_scoped3A_103, %mul3A_101] : memref<2x320000xi32, #tpu.memory_space<hbm>> -> memref<1x128xi32, #tpu.memory_space<hbm>>
            %dma_start3A_109 = tpu.memref_squeeze %dma_start3A_108 : memref<1x128xi32, #tpu.memory_space<hbm>> -> memref<128xi32, #tpu.memory_space<hbm>>
            %dma_start3A_110 = tpu.memref_slice %arg2[%run_scoped3A_103, %mul3A_101] : memref<2x320000xi32, #tpu.memory_space<hbm>> -> memref<1x128xi32, #tpu.memory_space<hbm>>
            %dma_start3A_111 = tpu.memref_squeeze %dma_start3A_110 : memref<1x128xi32, #tpu.memory_space<hbm>> -> memref<128xi32, #tpu.memory_space<hbm>>
            tpu.enqueue_dma source(%dma_start3A_111 : memref<128xi32, #tpu.memory_space<hbm>>) target(%arg5 : memref<128xi32, #tpu.memory_space<vmem>>) target_semaphore(%run_scoped3A_107 : memref<!tpu.dma_semaphore, #tpu.memory_space<semaphore_mem>>)
            %dma_wait3A_112 = tpu.memref_slice %arg2[%run_scoped3A_103, %mul3A_101] : memref<2x320000xi32, #tpu.memory_space<hbm>> -> memref<1x128xi32, #tpu.memory_space<hbm>>
            %dma_wait3A_113 = tpu.memref_squeeze %dma_wait3A_112 : memref<1x128xi32, #tpu.memory_space<hbm>> -> memref<128xi32, #tpu.memory_space<hbm>>
            %dma_wait3A_114 = tpu.memref_slice %arg2[%run_scoped3A_103, %mul3A_101] : memref<2x320000xi32, #tpu.memory_space<hbm>> -> memref<1x128xi32, #tpu.memory_space<hbm>>
            %dma_wait3A_115 = tpu.memref_squeeze %dma_wait3A_114 : memref<1x128xi32, #tpu.memory_space<hbm>> -> memref<128xi32, #tpu.memory_space<hbm>>
            tpu.wait_dma2 semaphore(%run_scoped3A_107 : memref<!tpu.dma_semaphore, #tpu.memory_space<semaphore_mem>>) src(%dma_wait3A_115 : memref<128xi32, #tpu.memory_space<hbm>>) dst(%arg5 : memref<128xi32, #tpu.memory_space<vmem>>)
            tpu.yield
          }) : () -> ()
          %dma_start3A_104 = arith.constant 0 : i32
          %dma_start3A_105 = arith.constant 0 : i32
          %dma_start3A_106 = tpu.memref_slice %arg3[%dma_start3A_104, %dma_start3A_105] : memref<10000x128xf32, #tpu.memory_space<hbm>> -> memref<10000x128xf32, #tpu.memory_space<hbm>>
          tpu.enqueue_indirect_dma source(%dma_start3A_106 : memref<10000x128xf32, #tpu.memory_space<hbm>>) target(%arg9 : memref<128x128xf32, #tpu.memory_space<vmem>>) offsets(%arg11 : memref<128xi32, #tpu.memory_space<vmem>>) semaphore(%arg7 : memref<!tpu.dma_semaphore, #tpu.memory_space<semaphore_mem>>)
        } else {
        }
        %dma_wait3A_94 = arith.constant 0 : i32
        %dma_wait3A_95 = arith.constant 0 : i32
        %dma_wait3A_96 = tpu.memref_slice %arg3[%dma_wait3A_94, %dma_wait3A_95] : memref<10000x128xf32, #tpu.memory_space<hbm>> -> memref<10000x128xf32, #tpu.memory_space<hbm>>
        tpu.wait_indirect_dma semaphore(%arg8 : memref<!tpu.dma_semaphore, #tpu.memory_space<semaphore_mem>>) src(%dma_wait3A_96 : memref<10000x128xf32, #tpu.memory_space<hbm>>) dst(%arg10 : memref<128x128xf32, #tpu.memory_space<vmem>>)
        "tpu.region"() ({
          %run_scoped3A_97 = tpu.sem_alloc : memref<!tpu.dma_semaphore, #tpu.memory_space<semaphore_mem>>
          %dma_start3A_98 = arith.constant 0 : i32
          %dma_start3A_99 = arith.constant 0 : i32
          %dma_start3A_100 = tpu.memref_slice %arg13[%dma_start3A_98, %dma_start3A_99] : memref<10240x128xf32, #tpu.memory_space<vmem_shared>> -> memref<10240x128xf32, #tpu.memory_space<vmem_shared>>
          tpu.enqueue_indirect_dma source(%arg10 : memref<128x128xf32, #tpu.memory_space<vmem>>) target(%dma_start3A_100 : memref<10240x128xf32, #tpu.memory_space<vmem_shared>>) offsets(%arg6 : memref<128xi32, #tpu.memory_space<vmem>>) semaphore(%run_scoped3A_97 : memref<!tpu.dma_semaphore, #tpu.memory_space<semaphore_mem>>) {add = true}
          %dma_wait3A_101 = arith.constant 0 : i32
          %dma_wait3A_102 = arith.constant 0 : i32
          %dma_wait3A_103 = tpu.memref_slice %arg13[%dma_wait3A_101, %dma_wait3A_102] : memref<10240x128xf32, #tpu.memory_space<vmem_shared>> -> memref<10240x128xf32, #tpu.memory_space<vmem_shared>>
          tpu.wait_indirect_dma semaphore(%run_scoped3A_97 : memref<!tpu.dma_semaphore, #tpu.memory_space<semaphore_mem>>) src(%arg10 : memref<128x128xf32, #tpu.memory_space<vmem>>) dst(%dma_wait3A_103 : memref<10240x128xf32, #tpu.memory_space<vmem_shared>>)
          tpu.yield
        }) : () -> ()
      } else {
      }
      %while3A_87 = arith.constant 0 : i32
      scf.yield %while3A_87 : i32
    }
    %barrier3A_69 = arith.constant 0 : index
    tpu.barrier barrier_id(%barrier3A_69)
    "tpu.region"() ({
      %run_scoped3A_70 = tpu.sem_alloc : memref<!tpu.dma_semaphore, #tpu.memory_space<semaphore_mem>>
      %dma_start3A_71 = arith.constant 0 : i32
      %dma_start3A_72 = tpu.memref_slice %arg4[%arg0, %mul3A_7, %dma_start3A_71] : memref<2x10240x128xf32, #tpu.memory_space<hbm>> -> memref<1x640x128xf32, #tpu.memory_space<hbm>>
      %dma_start3A_73 = tpu.memref_squeeze %dma_start3A_72 : memref<1x640x128xf32, #tpu.memory_space<hbm>> -> memref<640x128xf32, #tpu.memory_space<hbm>>
      %dma_start3A_74 = arith.constant 0 : i32
      %dma_start3A_75 = tpu.memref_slice %arg13[%mul3A_7, %dma_start3A_74] : memref<10240x128xf32, #tpu.memory_space<vmem_shared>> -> memref<640x128xf32, #tpu.memory_space<vmem_shared>>
      tpu.enqueue_dma source(%dma_start3A_75 : memref<640x128xf32, #tpu.memory_space<vmem_shared>>) target(%dma_start3A_73 : memref<640x128xf32, #tpu.memory_space<hbm>>) target_semaphore(%run_scoped3A_70 : memref<!tpu.dma_semaphore, #tpu.memory_space<semaphore_mem>>)
      %dma_wait3A = arith.constant 0 : i32
      %dma_wait3A_76 = tpu.memref_slice %arg4[%arg0, %mul3A_7, %dma_wait3A] : memref<2x10240x128xf32, #tpu.memory_space<hbm>> -> memref<1x640x128xf32, #tpu.memory_space<hbm>>
      %dma_wait3A_77 = tpu.memref_squeeze %dma_wait3A_76 : memref<1x640x128xf32, #tpu.memory_space<hbm>> -> memref<640x128xf32, #tpu.memory_space<hbm>>
      %dma_wait3A_78 = arith.constant 0 : i32
      %dma_wait3A_79 = tpu.memref_slice %arg13[%mul3A_7, %dma_wait3A_78] : memref<10240x128xf32, #tpu.memory_space<vmem_shared>> -> memref<640x128xf32, #tpu.memory_space<vmem_shared>>
      tpu.wait_dma2 semaphore(%run_scoped3A_70 : memref<!tpu.dma_semaphore, #tpu.memory_space<semaphore_mem>>) src(%dma_wait3A_79 : memref<640x128xf32, #tpu.memory_space<vmem_shared>>) dst(%dma_wait3A_77 : memref<640x128xf32, #tpu.memory_space<hbm>>)
      tpu.yield
    }) : () -> ()
    return
  }
}

#map = affine_map<(d0, d1) -> (0, 0)>
#map1 = affine_map<(d0, d1) -> (0, 0, 0)>
module attributes {stable_mosaic.version = 14 : i64} {
  func.func @_seg_sum_deg(%arg0: i32, %arg1: i32, %arg2: memref<2x320000xi32, #tpu.memory_space<hbm>>, %arg3: memref<10000x128xf32, #tpu.memory_space<hbm>>, %arg4: memref<128x128xf32, #tpu.memory_space<hbm>>, %arg5: memref<2x10240x128xf32, #tpu.memory_space<hbm>>, %arg6: memref<32x10240xf32, #tpu.memory_space<hbm>>, %arg7: memref<10240xf32, #tpu.memory_space<vmem>>, %arg8: memref<128xi32, #tpu.memory_space<vmem>>, %arg9: memref<128xi32, #tpu.memory_space<vmem>>, %arg10: memref<!tpu.dma_semaphore, #tpu.memory_space<semaphore_mem>>, %arg11: memref<!tpu.dma_semaphore, #tpu.memory_space<semaphore_mem>>, %arg12: memref<128x128xf32, #tpu.memory_space<vmem>>, %arg13: memref<128x128xf32, #tpu.memory_space<vmem>>, %arg14: memref<128xi32, #tpu.memory_space<vmem>>, %arg15: memref<128xi32, #tpu.memory_space<vmem>>, %arg16: memref<10240x128xf32, #tpu.memory_space<vmem_shared>>) attributes {dimension_semantics = [#tpu.dimension_semantics<core_parallel>, #tpu.dimension_semantics<subcore_parallel>], iteration_bounds = array<i64: 2, 16>, scalar_prefetch = 0 : i64, scratch_operands = 10 : i64, tpu.core_type = #tpu.core_type<sc_vector_subcore>, window_params = [{transform_indices = #map}, {transform_indices = #map}, {transform_indices = #map}, {transform_indices = #map1}, {transform_indices = #map}]} {
    "tpu.region"() ({
      %run_scoped3A_73 = tpu.sem_alloc : memref<!tpu.dma_semaphore, #tpu.memory_space<semaphore_mem>>
      tpu.enqueue_dma source(%arg4 : memref<128x128xf32, #tpu.memory_space<hbm>>) target(%arg12 : memref<128x128xf32, #tpu.memory_space<vmem>>) target_semaphore(%run_scoped3A_73 : memref<!tpu.dma_semaphore, #tpu.memory_space<semaphore_mem>>)
      tpu.wait_dma2 semaphore(%run_scoped3A_73 : memref<!tpu.dma_semaphore, #tpu.memory_space<semaphore_mem>>) src(%arg4 : memref<128x128xf32, #tpu.memory_space<hbm>>) dst(%arg12 : memref<128x128xf32, #tpu.memory_space<vmem>>)
      tpu.yield
    }) : () -> ()
    %broadcast_in_dim3A = arith.constant 0.000000e+00 : f32
    %broadcast_in_dim3A_0 = vector.broadcast %broadcast_in_dim3A : f32 to vector<16xf32>
    %scan3A = arith.constant 0 : i32
    %scan3A_1 = arith.constant 0 : i32
    %scan3A_2 = arith.constant 640 : i32
    %scan3A_3 = arith.addi %scan3A_1, %scan3A_2 : i32
    %scan3A_4 = arith.constant 1 : i32
    %scan3A_5 = scf.for %scan3A_73 = %scan3A_1 to %scan3A_3 step %scan3A_4 iter_args(%scan3A_74 = %scan3A) -> (i32)  : i32 {
      %mul3A_75 = arith.constant 16 : i32
      %mul3A_76 = arith.muli %scan3A_73, %mul3A_75 : i32
      %swap3A = arith.index_cast %mul3A_76 : i32 to index
      %swap3A_77 = tpu.vector_load %arg7[%swap3A] {strides = array<i32>} : memref<10240xf32, #tpu.memory_space<vmem>>, vector<16xf32>,
      tpu.vector_store %arg7[%swap3A], %broadcast_in_dim3A_0 {strides = array<i32>} : memref<10240xf32, #tpu.memory_space<vmem>>, vector<16xf32>,
      %scan3A_78 = arith.constant 0 : i32
      scf.yield %scan3A_78 : i32
    }
    %scan3A_6 = arith.constant 640 : i32
    %mul3A = arith.constant 640 : i32
    %mul3A_7 = arith.muli %arg1, %mul3A : i32
    %scan3A_8 = arith.constant 0 : i32
    %scan3A_9 = arith.constant 0 : i32
    %scan3A_10 = arith.constant 5 : i32
    %scan3A_11 = arith.addi %scan3A_9, %scan3A_10 : i32
    %scan3A_12 = arith.constant 1 : i32
    %scan3A_13 = scf.for %scan3A_73 = %scan3A_9 to %scan3A_11 step %scan3A_12 iter_args(%scan3A_74 = %scan3A_8) -> (i32)  : i32 {
      %mul3A_75 = arith.constant 128 : i32
      %mul3A_76 = arith.muli %scan3A_73, %mul3A_75 : i32
      %add3A_77 = arith.addi %mul3A_7, %mul3A_76 : i32
      "tpu.region"() ({
        %run_scoped3A_79 = tpu.sem_alloc : memref<!tpu.dma_semaphore, #tpu.memory_space<semaphore_mem>>
        %dma_start3A_80 = arith.constant 0 : i32
        %dma_start3A_81 = tpu.memref_slice %arg16[%add3A_77, %dma_start3A_80] : memref<10240x128xf32, #tpu.memory_space<vmem_shared>> -> memref<128x128xf32, #tpu.memory_space<vmem_shared>>
        %dma_start3A_82 = arith.constant 0 : i32
        %dma_start3A_83 = tpu.memref_slice %arg16[%add3A_77, %dma_start3A_82] : memref<10240x128xf32, #tpu.memory_space<vmem_shared>> -> memref<128x128xf32, #tpu.memory_space<vmem_shared>>
        tpu.enqueue_dma source(%arg12 : memref<128x128xf32, #tpu.memory_space<vmem>>) target(%dma_start3A_83 : memref<128x128xf32, #tpu.memory_space<vmem_shared>>) target_semaphore(%run_scoped3A_79 : memref<!tpu.dma_semaphore, #tpu.memory_space<semaphore_mem>>)
        %dma_wait3A = arith.constant 0 : i32
        %dma_wait3A_84 = tpu.memref_slice %arg16[%add3A_77, %dma_wait3A] : memref<10240x128xf32, #tpu.memory_space<vmem_shared>> -> memref<128x128xf32, #tpu.memory_space<vmem_shared>>
        %dma_wait3A_85 = arith.constant 0 : i32
        %dma_wait3A_86 = tpu.memref_slice %arg16[%add3A_77, %dma_wait3A_85] : memref<10240x128xf32, #tpu.memory_space<vmem_shared>> -> memref<128x128xf32, #tpu.memory_space<vmem_shared>>
        tpu.wait_dma2 semaphore(%run_scoped3A_79 : memref<!tpu.dma_semaphore, #tpu.memory_space<semaphore_mem>>) src(%arg12 : memref<128x128xf32, #tpu.memory_space<vmem>>) dst(%dma_wait3A_86 : memref<128x128xf32, #tpu.memory_space<vmem_shared>>)
        tpu.yield
      }) : () -> ()
      %scan3A_78 = arith.constant 0 : i32
      scf.yield %scan3A_78 : i32
    }
    %scan3A_14 = arith.constant 5 : i32
    %barrier3A = arith.constant 0 : index
    tpu.barrier barrier_id(%barrier3A)
    %eq3A = arith.constant 0 : i32
    %eq3A_15 = arith.cmpi eq, %arg0, %eq3A : i32
    %lt3A = arith.constant 4 : i32
    %lt3A_16 = arith.cmpi slt, %arg1, %lt3A : i32
    %convert_element_type3A = arith.extui %lt3A_16 : i1 to i32
    %add3A = arith.constant 78 : i32
    %add3A_17 = arith.addi %add3A, %convert_element_type3A : i32
    %jit3A = arith.constant 78 : i32
    %select_n3A = arith.select %eq3A_15, %add3A_17, %jit3A : i32
    %eq3A_18 = arith.constant 0 : i32
    %eq3A_19 = arith.cmpi eq, %arg0, %eq3A_18 : i32
    %mul3A_20 = arith.constant 78 : i32
    %mul3A_21 = arith.muli %arg1, %mul3A_20 : i32
    %min3A = arith.constant 4 : i32
    %min3A_22 = arith.minsi %arg1, %min3A : i32
    %add3A_23 = arith.addi %mul3A_21, %min3A_22 : i32
    %mul3A_24 = arith.constant 78 : i32
    %mul3A_25 = arith.muli %arg1, %mul3A_24 : i32
    %add3A_26 = arith.constant 1252 : i32
    %add3A_27 = arith.addi %add3A_26, %mul3A_25 : i32
    %select_n3A_28 = arith.select %eq3A_19, %add3A_23, %add3A_27 : i32
    %broadcast_in_dim3A_29 = arith.constant 1.000000e+00 : f32
    %broadcast_in_dim3A_30 = vector.broadcast %broadcast_in_dim3A_29 : f32 to vector<16xf32>
    %add3A_31 = arith.constant 0 : i32
    %add3A_32 = arith.addi %select_n3A_28, %add3A_31 : i32
    %mul3A_33 = arith.constant 128 : i32
    %mul3A_34 = arith.muli %add3A_32, %mul3A_33 : i32
    %run_scoped3A = arith.constant 0 : i32
    "tpu.region"() ({
      %run_scoped3A_73 = tpu.sem_alloc : memref<!tpu.dma_semaphore, #tpu.memory_space<semaphore_mem>>
      %dma_start3A_74 = tpu.memref_slice %arg2[%run_scoped3A, %mul3A_34] : memref<2x320000xi32, #tpu.memory_space<hbm>> -> memref<1x128xi32, #tpu.memory_space<hbm>>
      %dma_start3A_75 = tpu.memref_squeeze %dma_start3A_74 : memref<1x128xi32, #tpu.memory_space<hbm>> -> memref<128xi32, #tpu.memory_space<hbm>>
      %dma_start3A_76 = tpu.memref_slice %arg2[%run_scoped3A, %mul3A_34] : memref<2x320000xi32, #tpu.memory_space<hbm>> -> memref<1x128xi32, #tpu.memory_space<hbm>>
      %dma_start3A_77 = tpu.memref_squeeze %dma_start3A_76 : memref<1x128xi32, #tpu.memory_space<hbm>> -> memref<128xi32, #tpu.memory_space<hbm>>
      tpu.enqueue_dma source(%dma_start3A_77 : memref<128xi32, #tpu.memory_space<hbm>>) target(%arg14 : memref<128xi32, #tpu.memory_space<vmem>>) target_semaphore(%run_scoped3A_73 : memref<!tpu.dma_semaphore, #tpu.memory_space<semaphore_mem>>)
      %dma_wait3A = tpu.memref_slice %arg2[%run_scoped3A, %mul3A_34] : memref<2x320000xi32, #tpu.memory_space<hbm>> -> memref<1x128xi32, #tpu.memory_space<hbm>>
      %dma_wait3A_78 = tpu.memref_squeeze %dma_wait3A : memref<1x128xi32, #tpu.memory_space<hbm>> -> memref<128xi32, #tpu.memory_space<hbm>>
      %dma_wait3A_79 = tpu.memref_slice %arg2[%run_scoped3A, %mul3A_34] : memref<2x320000xi32, #tpu.memory_space<hbm>> -> memref<1x128xi32, #tpu.memory_space<hbm>>
      %dma_wait3A_80 = tpu.memref_squeeze %dma_wait3A_79 : memref<1x128xi32, #tpu.memory_space<hbm>> -> memref<128xi32, #tpu.memory_space<hbm>>
      tpu.wait_dma2 semaphore(%run_scoped3A_73 : memref<!tpu.dma_semaphore, #tpu.memory_space<semaphore_mem>>) src(%dma_wait3A_80 : memref<128xi32, #tpu.memory_space<hbm>>) dst(%arg14 : memref<128xi32, #tpu.memory_space<vmem>>)
      tpu.yield
    }) : () -> ()
    %run_scoped3A_35 = arith.constant 1 : i32
    "tpu.region"() ({
      %run_scoped3A_73 = tpu.sem_alloc : memref<!tpu.dma_semaphore, #tpu.memory_space<semaphore_mem>>
      %dma_start3A_74 = tpu.memref_slice %arg2[%run_scoped3A_35, %mul3A_34] : memref<2x320000xi32, #tpu.memory_space<hbm>> -> memref<1x128xi32, #tpu.memory_space<hbm>>
      %dma_start3A_75 = tpu.memref_squeeze %dma_start3A_74 : memref<1x128xi32, #tpu.memory_space<hbm>> -> memref<128xi32, #tpu.memory_space<hbm>>
      %dma_start3A_76 = tpu.memref_slice %arg2[%run_scoped3A_35, %mul3A_34] : memref<2x320000xi32, #tpu.memory_space<hbm>> -> memref<1x128xi32, #tpu.memory_space<hbm>>
      %dma_start3A_77 = tpu.memref_squeeze %dma_start3A_76 : memref<1x128xi32, #tpu.memory_space<hbm>> -> memref<128xi32, #tpu.memory_space<hbm>>
      tpu.enqueue_dma source(%dma_start3A_77 : memref<128xi32, #tpu.memory_space<hbm>>) target(%arg8 : memref<128xi32, #tpu.memory_space<vmem>>) target_semaphore(%run_scoped3A_73 : memref<!tpu.dma_semaphore, #tpu.memory_space<semaphore_mem>>)
      %dma_wait3A = tpu.memref_slice %arg2[%run_scoped3A_35, %mul3A_34] : memref<2x320000xi32, #tpu.memory_space<hbm>> -> memref<1x128xi32, #tpu.memory_space<hbm>>
      %dma_wait3A_78 = tpu.memref_squeeze %dma_wait3A : memref<1x128xi32, #tpu.memory_space<hbm>> -> memref<128xi32, #tpu.memory_space<hbm>>
      %dma_wait3A_79 = tpu.memref_slice %arg2[%run_scoped3A_35, %mul3A_34] : memref<2x320000xi32, #tpu.memory_space<hbm>> -> memref<1x128xi32, #tpu.memory_space<hbm>>
      %dma_wait3A_80 = tpu.memref_squeeze %dma_wait3A_79 : memref<1x128xi32, #tpu.memory_space<hbm>> -> memref<128xi32, #tpu.memory_space<hbm>>
      tpu.wait_dma2 semaphore(%run_scoped3A_73 : memref<!tpu.dma_semaphore, #tpu.memory_space<semaphore_mem>>) src(%dma_wait3A_80 : memref<128xi32, #tpu.memory_space<hbm>>) dst(%arg8 : memref<128xi32, #tpu.memory_space<vmem>>)
      tpu.yield
    }) : () -> ()
    %dma_start3A = arith.constant 0 : i32
    %dma_start3A_36 = arith.constant 0 : i32
    %dma_start3A_37 = tpu.memref_slice %arg3[%dma_start3A, %dma_start3A_36] : memref<10000x128xf32, #tpu.memory_space<hbm>> -> memref<10000x128xf32, #tpu.memory_space<hbm>>
    tpu.enqueue_indirect_dma source(%dma_start3A_37 : memref<10000x128xf32, #tpu.memory_space<hbm>>) target(%arg12 : memref<128x128xf32, #tpu.memory_space<vmem>>) offsets(%arg14 : memref<128xi32, #tpu.memory_space<vmem>>) semaphore(%arg10 : memref<!tpu.dma_semaphore, #tpu.memory_space<semaphore_mem>>)
    %add3A_38 = arith.constant 1 : i32
    %add3A_39 = arith.addi %select_n3A, %add3A_38 : i32
    %jit3A_40 = arith.constant 2 : i32
    %div3A = arith.divsi %add3A_39, %jit3A_40 : i32
    %sign3A = arith.constant 0 : i32
    %sign3A_41 = arith.cmpi sgt, %add3A_39, %sign3A : i32
    %sign3A_42 = arith.extui %sign3A_41 : i1 to i32
    %sign3A_43 = arith.constant 0 : i32
    %sign3A_44 = arith.cmpi slt, %add3A_39, %sign3A_43 : i32
    %sign3A_45 = arith.extui %sign3A_44 : i1 to i32
    %sign3A_46 = arith.subi %sign3A_42, %sign3A_45 : i32
    %sign3A_47 = arith.constant 0 : i32
    %sign3A_48 = arith.cmpi sgt, %jit3A_40, %sign3A_47 : i32
    %sign3A_49 = arith.extui %sign3A_48 : i1 to i32
    %sign3A_50 = arith.constant 0 : i32
    %sign3A_51 = arith.cmpi slt, %jit3A_40, %sign3A_50 : i32
    %sign3A_52 = arith.extui %sign3A_51 : i1 to i32
    %sign3A_53 = arith.subi %sign3A_49, %sign3A_52 : i32
    %ne3A = arith.cmpi ne, %sign3A_46, %sign3A_53 : i32
    %rem3A = arith.remsi %add3A_39, %jit3A_40 : i32
    %ne3A_54 = arith.constant 0 : i32
    %ne3A_55 = arith.cmpi ne, %rem3A, %ne3A_54 : i32
    %and3A = arith.andi %ne3A, %ne3A_55 : i1
    %sub3A = arith.constant 1 : i32
    %sub3A_56 = arith.subi %div3A, %sub3A : i32
    %select_n3A_57 = arith.select %and3A, %sub3A_56, %div3A : i32
    %while3A = arith.constant 0 : i32
    %while3A_58 = arith.constant 0 : i32
    %while3A_59 = arith.subi %select_n3A_57, %while3A : i32
    %while3A_60 = arith.addi %while3A, %while3A_59 : i32
    %while3A_61 = arith.constant 1 : i32
    %while3A_62 = arith.divsi %while3A_59, %while3A_61 : i32
    %while3A_63 = arith.muli %while3A_62, %while3A_61 : i32
    %while3A_64 = arith.addi %while3A, %while3A_63 : i32
    %while3A_65 = arith.constant 1 : i32
    %while3A_66 = scf.for %while3A_73 = %while3A to %while3A_64 step %while3A_65 iter_args(%while3A_74 = %while3A_58) -> (i32)  : i32 {
      %mul3A_75 = arith.constant 2 : i32
      %mul3A_76 = arith.muli %mul3A_75, %while3A_73 : i32
      %add3A_77 = arith.constant 1 : i32
      %add3A_78 = arith.addi %mul3A_76, %add3A_77 : i32
      %lt3A_79 = arith.cmpi slt, %add3A_78, %select_n3A : i32
      %convert_element_type3A_80 = arith.extui %lt3A_79 : i1 to i32
      %cond3A = arith.constant 0 : i32
      %cond3A_81 = arith.cmpi ne, %convert_element_type3A_80, %cond3A : i32
      scf.if %cond3A_81 {
        %add3A_98 = arith.constant 1 : i32
        %add3A_99 = arith.addi %mul3A_76, %add3A_98 : i32
        %add3A_100 = arith.addi %select_n3A_28, %add3A_99 : i32
        %mul3A_101 = arith.constant 128 : i32
        %mul3A_102 = arith.muli %add3A_100, %mul3A_101 : i32
        %run_scoped3A_103 = arith.constant 0 : i32
        "tpu.region"() ({
          %run_scoped3A_108 = tpu.sem_alloc : memref<!tpu.dma_semaphore, #tpu.memory_space<semaphore_mem>>
          %dma_start3A_109 = tpu.memref_slice %arg2[%run_scoped3A_103, %mul3A_102] : memref<2x320000xi32, #tpu.memory_space<hbm>> -> memref<1x128xi32, #tpu.memory_space<hbm>>
          %dma_start3A_110 = tpu.memref_squeeze %dma_start3A_109 : memref<1x128xi32, #tpu.memory_space<hbm>> -> memref<128xi32, #tpu.memory_space<hbm>>
          %dma_start3A_111 = tpu.memref_slice %arg2[%run_scoped3A_103, %mul3A_102] : memref<2x320000xi32, #tpu.memory_space<hbm>> -> memref<1x128xi32, #tpu.memory_space<hbm>>
          %dma_start3A_112 = tpu.memref_squeeze %dma_start3A_111 : memref<1x128xi32, #tpu.memory_space<hbm>> -> memref<128xi32, #tpu.memory_space<hbm>>
          tpu.enqueue_dma source(%dma_start3A_112 : memref<128xi32, #tpu.memory_space<hbm>>) target(%arg15 : memref<128xi32, #tpu.memory_space<vmem>>) target_semaphore(%run_scoped3A_108 : memref<!tpu.dma_semaphore, #tpu.memory_space<semaphore_mem>>)
          %dma_wait3A_113 = tpu.memref_slice %arg2[%run_scoped3A_103, %mul3A_102] : memref<2x320000xi32, #tpu.memory_space<hbm>> -> memref<1x128xi32, #tpu.memory_space<hbm>>
          %dma_wait3A_114 = tpu.memref_squeeze %dma_wait3A_113 : memref<1x128xi32, #tpu.memory_space<hbm>> -> memref<128xi32, #tpu.memory_space<hbm>>
          %dma_wait3A_115 = tpu.memref_slice %arg2[%run_scoped3A_103, %mul3A_102] : memref<2x320000xi32, #tpu.memory_space<hbm>> -> memref<1x128xi32, #tpu.memory_space<hbm>>
          %dma_wait3A_116 = tpu.memref_squeeze %dma_wait3A_115 : memref<1x128xi32, #tpu.memory_space<hbm>> -> memref<128xi32, #tpu.memory_space<hbm>>
          tpu.wait_dma2 semaphore(%run_scoped3A_108 : memref<!tpu.dma_semaphore, #tpu.memory_space<semaphore_mem>>) src(%dma_wait3A_116 : memref<128xi32, #tpu.memory_space<hbm>>) dst(%arg15 : memref<128xi32, #tpu.memory_space<vmem>>)
          tpu.yield
        }) : () -> ()
        %run_scoped3A_104 = arith.constant 1 : i32
        "tpu.region"() ({
          %run_scoped3A_108 = tpu.sem_alloc : memref<!tpu.dma_semaphore, #tpu.memory_space<semaphore_mem>>
          %dma_start3A_109 = tpu.memref_slice %arg2[%run_scoped3A_104, %mul3A_102] : memref<2x320000xi32, #tpu.memory_space<hbm>> -> memref<1x128xi32, #tpu.memory_space<hbm>>
          %dma_start3A_110 = tpu.memref_squeeze %dma_start3A_109 : memref<1x128xi32, #tpu.memory_space<hbm>> -> memref<128xi32, #tpu.memory_space<hbm>>
          %dma_start3A_111 = tpu.memref_slice %arg2[%run_scoped3A_104, %mul3A_102] : memref<2x320000xi32, #tpu.memory_space<hbm>> -> memref<1x128xi32, #tpu.memory_space<hbm>>
          %dma_start3A_112 = tpu.memref_squeeze %dma_start3A_111 : memref<1x128xi32, #tpu.memory_space<hbm>> -> memref<128xi32, #tpu.memory_space<hbm>>
          tpu.enqueue_dma source(%dma_start3A_112 : memref<128xi32, #tpu.memory_space<hbm>>) target(%arg9 : memref<128xi32, #tpu.memory_space<vmem>>) target_semaphore(%run_scoped3A_108 : memref<!tpu.dma_semaphore, #tpu.memory_space<semaphore_mem>>)
          %dma_wait3A_113 = tpu.memref_slice %arg2[%run_scoped3A_104, %mul3A_102] : memref<2x320000xi32, #tpu.memory_space<hbm>> -> memref<1x128xi32, #tpu.memory_space<hbm>>
          %dma_wait3A_114 = tpu.memref_squeeze %dma_wait3A_113 : memref<1x128xi32, #tpu.memory_space<hbm>> -> memref<128xi32, #tpu.memory_space<hbm>>
          %dma_wait3A_115 = tpu.memref_slice %arg2[%run_scoped3A_104, %mul3A_102] : memref<2x320000xi32, #tpu.memory_space<hbm>> -> memref<1x128xi32, #tpu.memory_space<hbm>>
          %dma_wait3A_116 = tpu.memref_squeeze %dma_wait3A_115 : memref<1x128xi32, #tpu.memory_space<hbm>> -> memref<128xi32, #tpu.memory_space<hbm>>
          tpu.wait_dma2 semaphore(%run_scoped3A_108 : memref<!tpu.dma_semaphore, #tpu.memory_space<semaphore_mem>>) src(%dma_wait3A_116 : memref<128xi32, #tpu.memory_space<hbm>>) dst(%arg9 : memref<128xi32, #tpu.memory_space<vmem>>)
          tpu.yield
        }) : () -> ()
        %dma_start3A_105 = arith.constant 0 : i32
        %dma_start3A_106 = arith.constant 0 : i32
        %dma_start3A_107 = tpu.memref_slice %arg3[%dma_start3A_105, %dma_start3A_106] : memref<10000x128xf32, #tpu.memory_space<hbm>> -> memref<10000x128xf32, #tpu.memory_space<hbm>>
        tpu.enqueue_indirect_dma source(%dma_start3A_107 : memref<10000x128xf32, #tpu.memory_space<hbm>>) target(%arg13 : memref<128x128xf32, #tpu.memory_space<vmem>>) offsets(%arg15 : memref<128xi32, #tpu.memory_space<vmem>>) semaphore(%arg11 : memref<!tpu.dma_semaphore, #tpu.memory_space<semaphore_mem>>)
      } else {
      }
      %dma_wait3A = arith.constant 0 : i32
      %dma_wait3A_82 = arith.constant 0 : i32
      %dma_wait3A_83 = tpu.memref_slice %arg3[%dma_wait3A, %dma_wait3A_82] : memref<10000x128xf32, #tpu.memory_space<hbm>> -> memref<10000x128xf32, #tpu.memory_space<hbm>>
      tpu.wait_indirect_dma semaphore(%arg10 : memref<!tpu.dma_semaphore, #tpu.memory_space<semaphore_mem>>) src(%dma_wait3A_83 : memref<10000x128xf32, #tpu.memory_space<hbm>>) dst(%arg12 : memref<128x128xf32, #tpu.memory_space<vmem>>)
      "tpu.region"() ({
        %run_scoped3A_98 = tpu.sem_alloc : memref<!tpu.dma_semaphore, #tpu.memory_space<semaphore_mem>>
        %dma_start3A_99 = arith.constant 0 : i32
        %dma_start3A_100 = arith.constant 0 : i32
        %dma_start3A_101 = tpu.memref_slice %arg16[%dma_start3A_99, %dma_start3A_100] : memref<10240x128xf32, #tpu.memory_space<vmem_shared>> -> memref<10240x128xf32, #tpu.memory_space<vmem_shared>>
        tpu.enqueue_indirect_dma source(%arg12 : memref<128x128xf32, #tpu.memory_space<vmem>>) target(%dma_start3A_101 : memref<10240x128xf32, #tpu.memory_space<vmem_shared>>) offsets(%arg8 : memref<128xi32, #tpu.memory_space<vmem>>) semaphore(%run_scoped3A_98 : memref<!tpu.dma_semaphore, #tpu.memory_space<semaphore_mem>>) {add = true}
        %dma_wait3A_102 = arith.constant 0 : i32
        %dma_wait3A_103 = arith.constant 0 : i32
        %dma_wait3A_104 = tpu.memref_slice %arg16[%dma_wait3A_102, %dma_wait3A_103] : memref<10240x128xf32, #tpu.memory_space<vmem_shared>> -> memref<10240x128xf32, #tpu.memory_space<vmem_shared>>
        tpu.wait_indirect_dma semaphore(%run_scoped3A_98 : memref<!tpu.dma_semaphore, #tpu.memory_space<semaphore_mem>>) src(%arg12 : memref<128x128xf32, #tpu.memory_space<vmem>>) dst(%dma_wait3A_104 : memref<10240x128xf32, #tpu.memory_space<vmem_shared>>)
        tpu.yield
      }) : () -> ()
      %scan3A_84 = arith.constant 0 : i32
      %scan3A_85 = arith.constant 0 : i32
      %scan3A_86 = arith.constant 8 : i32
      %scan3A_87 = arith.addi %scan3A_85, %scan3A_86 : i32
      %scan3A_88 = arith.constant 1 : i32
      %scan3A_89 = scf.for %scan3A_98 = %scan3A_85 to %scan3A_87 step %scan3A_88 iter_args(%scan3A_99 = %scan3A_84) -> (i32)  : i32 {
        %mul3A_100 = arith.constant 16 : i32
        %mul3A_101 = arith.muli %scan3A_98, %mul3A_100 : i32
        %get3A = arith.index_cast %mul3A_101 : i32 to index
        %get3A_102 = tpu.vector_load %arg8[%get3A] {strides = array<i32>} : memref<128xi32, #tpu.memory_space<vmem>>, vector<16xi32>,
        tpu.vector_store_idx %arg7[%get3A_102], %broadcast_in_dim3A_30 {add = true} : memref<10240xf32, #tpu.memory_space<vmem>>[vector<16xi32>], vector<16xf32>,
        %scan3A_103 = arith.constant 0 : i32
        scf.yield %scan3A_103 : i32
      }
      %scan3A_90 = arith.constant 8 : i32
      %add3A_91 = arith.constant 1 : i32
      %add3A_92 = arith.addi %mul3A_76, %add3A_91 : i32
      %lt3A_93 = arith.cmpi slt, %add3A_92, %select_n3A : i32
      %convert_element_type3A_94 = arith.extui %lt3A_93 : i1 to i32
      %cond3A_95 = arith.constant 0 : i32
      %cond3A_96 = arith.cmpi ne, %convert_element_type3A_94, %cond3A_95 : i32
      scf.if %cond3A_96 {
        %add3A_98 = arith.constant 2 : i32
        %add3A_99 = arith.addi %mul3A_76, %add3A_98 : i32
        %lt3A_100 = arith.cmpi slt, %add3A_99, %select_n3A : i32
        %convert_element_type3A_101 = arith.extui %lt3A_100 : i1 to i32
        %cond3A_102 = arith.constant 0 : i32
        %cond3A_103 = arith.cmpi ne, %convert_element_type3A_101, %cond3A_102 : i32
        scf.if %cond3A_103 {
          %add3A_114 = arith.constant 2 : i32
          %add3A_115 = arith.addi %mul3A_76, %add3A_114 : i32
          %add3A_116 = arith.addi %select_n3A_28, %add3A_115 : i32
          %mul3A_117 = arith.constant 128 : i32
          %mul3A_118 = arith.muli %add3A_116, %mul3A_117 : i32
          %run_scoped3A_119 = arith.constant 0 : i32
          "tpu.region"() ({
            %run_scoped3A_124 = tpu.sem_alloc : memref<!tpu.dma_semaphore, #tpu.memory_space<semaphore_mem>>
            %dma_start3A_125 = tpu.memref_slice %arg2[%run_scoped3A_119, %mul3A_118] : memref<2x320000xi32, #tpu.memory_space<hbm>> -> memref<1x128xi32, #tpu.memory_space<hbm>>
            %dma_start3A_126 = tpu.memref_squeeze %dma_start3A_125 : memref<1x128xi32, #tpu.memory_space<hbm>> -> memref<128xi32, #tpu.memory_space<hbm>>
            %dma_start3A_127 = tpu.memref_slice %arg2[%run_scoped3A_119, %mul3A_118] : memref<2x320000xi32, #tpu.memory_space<hbm>> -> memref<1x128xi32, #tpu.memory_space<hbm>>
            %dma_start3A_128 = tpu.memref_squeeze %dma_start3A_127 : memref<1x128xi32, #tpu.memory_space<hbm>> -> memref<128xi32, #tpu.memory_space<hbm>>
            tpu.enqueue_dma source(%dma_start3A_128 : memref<128xi32, #tpu.memory_space<hbm>>) target(%arg14 : memref<128xi32, #tpu.memory_space<vmem>>) target_semaphore(%run_scoped3A_124 : memref<!tpu.dma_semaphore, #tpu.memory_space<semaphore_mem>>)
            %dma_wait3A_129 = tpu.memref_slice %arg2[%run_scoped3A_119, %mul3A_118] : memref<2x320000xi32, #tpu.memory_space<hbm>> -> memref<1x128xi32, #tpu.memory_space<hbm>>
            %dma_wait3A_130 = tpu.memref_squeeze %dma_wait3A_129 : memref<1x128xi32, #tpu.memory_space<hbm>> -> memref<128xi32, #tpu.memory_space<hbm>>
            %dma_wait3A_131 = tpu.memref_slice %arg2[%run_scoped3A_119, %mul3A_118] : memref<2x320000xi32, #tpu.memory_space<hbm>> -> memref<1x128xi32, #tpu.memory_space<hbm>>
            %dma_wait3A_132 = tpu.memref_squeeze %dma_wait3A_131 : memref<1x128xi32, #tpu.memory_space<hbm>> -> memref<128xi32, #tpu.memory_space<hbm>>
            tpu.wait_dma2 semaphore(%run_scoped3A_124 : memref<!tpu.dma_semaphore, #tpu.memory_space<semaphore_mem>>) src(%dma_wait3A_132 : memref<128xi32, #tpu.memory_space<hbm>>) dst(%arg14 : memref<128xi32, #tpu.memory_space<vmem>>)
            tpu.yield
          }) : () -> ()
          %run_scoped3A_120 = arith.constant 1 : i32
          "tpu.region"() ({
            %run_scoped3A_124 = tpu.sem_alloc : memref<!tpu.dma_semaphore, #tpu.memory_space<semaphore_mem>>
            %dma_start3A_125 = tpu.memref_slice %arg2[%run_scoped3A_120, %mul3A_118] : memref<2x320000xi32, #tpu.memory_space<hbm>> -> memref<1x128xi32, #tpu.memory_space<hbm>>
            %dma_start3A_126 = tpu.memref_squeeze %dma_start3A_125 : memref<1x128xi32, #tpu.memory_space<hbm>> -> memref<128xi32, #tpu.memory_space<hbm>>
            %dma_start3A_127 = tpu.memref_slice %arg2[%run_scoped3A_120, %mul3A_118] : memref<2x320000xi32, #tpu.memory_space<hbm>> -> memref<1x128xi32, #tpu.memory_space<hbm>>
            %dma_start3A_128 = tpu.memref_squeeze %dma_start3A_127 : memref<1x128xi32, #tpu.memory_space<hbm>> -> memref<128xi32, #tpu.memory_space<hbm>>
            tpu.enqueue_dma source(%dma_start3A_128 : memref<128xi32, #tpu.memory_space<hbm>>) target(%arg8 : memref<128xi32, #tpu.memory_space<vmem>>) target_semaphore(%run_scoped3A_124 : memref<!tpu.dma_semaphore, #tpu.memory_space<semaphore_mem>>)
            %dma_wait3A_129 = tpu.memref_slice %arg2[%run_scoped3A_120, %mul3A_118] : memref<2x320000xi32, #tpu.memory_space<hbm>> -> memref<1x128xi32, #tpu.memory_space<hbm>>
            %dma_wait3A_130 = tpu.memref_squeeze %dma_wait3A_129 : memref<1x128xi32, #tpu.memory_space<hbm>> -> memref<128xi32, #tpu.memory_space<hbm>>
            %dma_wait3A_131 = tpu.memref_slice %arg2[%run_scoped3A_120, %mul3A_118] : memref<2x320000xi32, #tpu.memory_space<hbm>> -> memref<1x128xi32, #tpu.memory_space<hbm>>
            %dma_wait3A_132 = tpu.memref_squeeze %dma_wait3A_131 : memref<1x128xi32, #tpu.memory_space<hbm>> -> memref<128xi32, #tpu.memory_space<hbm>>
            tpu.wait_dma2 semaphore(%run_scoped3A_124 : memref<!tpu.dma_semaphore, #tpu.memory_space<semaphore_mem>>) src(%dma_wait3A_132 : memref<128xi32, #tpu.memory_space<hbm>>) dst(%arg8 : memref<128xi32, #tpu.memory_space<vmem>>)
            tpu.yield
          }) : () -> ()
          %dma_start3A_121 = arith.constant 0 : i32
          %dma_start3A_122 = arith.constant 0 : i32
          %dma_start3A_123 = tpu.memref_slice %arg3[%dma_start3A_121, %dma_start3A_122] : memref<10000x128xf32, #tpu.memory_space<hbm>> -> memref<10000x128xf32, #tpu.memory_space<hbm>>
          tpu.enqueue_indirect_dma source(%dma_start3A_123 : memref<10000x128xf32, #tpu.memory_space<hbm>>) target(%arg12 : memref<128x128xf32, #tpu.memory_space<vmem>>) offsets(%arg14 : memref<128xi32, #tpu.memory_space<vmem>>) semaphore(%arg10 : memref<!tpu.dma_semaphore, #tpu.memory_space<semaphore_mem>>)
        } else {
        }
        %dma_wait3A_104 = arith.constant 0 : i32
        %dma_wait3A_105 = arith.constant 0 : i32
        %dma_wait3A_106 = tpu.memref_slice %arg3[%dma_wait3A_104, %dma_wait3A_105] : memref<10000x128xf32, #tpu.memory_space<hbm>> -> memref<10000x128xf32, #tpu.memory_space<hbm>>
        tpu.wait_indirect_dma semaphore(%arg11 : memref<!tpu.dma_semaphore, #tpu.memory_space<semaphore_mem>>) src(%dma_wait3A_106 : memref<10000x128xf32, #tpu.memory_space<hbm>>) dst(%arg13 : memref<128x128xf32, #tpu.memory_space<vmem>>)
        "tpu.region"() ({
          %run_scoped3A_114 = tpu.sem_alloc : memref<!tpu.dma_semaphore, #tpu.memory_space<semaphore_mem>>
          %dma_start3A_115 = arith.constant 0 : i32
          %dma_start3A_116 = arith.constant 0 : i32
          %dma_start3A_117 = tpu.memref_slice %arg16[%dma_start3A_115, %dma_start3A_116] : memref<10240x128xf32, #tpu.memory_space<vmem_shared>> -> memref<10240x128xf32, #tpu.memory_space<vmem_shared>>
          tpu.enqueue_indirect_dma source(%arg13 : memref<128x128xf32, #tpu.memory_space<vmem>>) target(%dma_start3A_117 : memref<10240x128xf32, #tpu.memory_space<vmem_shared>>) offsets(%arg9 : memref<128xi32, #tpu.memory_space<vmem>>) semaphore(%run_scoped3A_114 : memref<!tpu.dma_semaphore, #tpu.memory_space<semaphore_mem>>) {add = true}
          %dma_wait3A_118 = arith.constant 0 : i32
          %dma_wait3A_119 = arith.constant 0 : i32
          %dma_wait3A_120 = tpu.memref_slice %arg16[%dma_wait3A_118, %dma_wait3A_119] : memref<10240x128xf32, #tpu.memory_space<vmem_shared>> -> memref<10240x128xf32, #tpu.memory_space<vmem_shared>>
          tpu.wait_indirect_dma semaphore(%run_scoped3A_114 : memref<!tpu.dma_semaphore, #tpu.memory_space<semaphore_mem>>) src(%arg13 : memref<128x128xf32, #tpu.memory_space<vmem>>) dst(%dma_wait3A_120 : memref<10240x128xf32, #tpu.memory_space<vmem_shared>>)
          tpu.yield
        }) : () -> ()
        %scan3A_107 = arith.constant 0 : i32
        %scan3A_108 = arith.constant 0 : i32
        %scan3A_109 = arith.constant 8 : i32
        %scan3A_110 = arith.addi %scan3A_108, %scan3A_109 : i32
        %scan3A_111 = arith.constant 1 : i32
        %scan3A_112 = scf.for %scan3A_114 = %scan3A_108 to %scan3A_110 step %scan3A_111 iter_args(%scan3A_115 = %scan3A_107) -> (i32)  : i32 {
          %mul3A_116 = arith.constant 16 : i32
          %mul3A_117 = arith.muli %scan3A_114, %mul3A_116 : i32
          %get3A = arith.index_cast %mul3A_117 : i32 to index
          %get3A_118 = tpu.vector_load %arg9[%get3A] {strides = array<i32>} : memref<128xi32, #tpu.memory_space<vmem>>, vector<16xi32>,
          tpu.vector_store_idx %arg7[%get3A_118], %broadcast_in_dim3A_30 {add = true} : memref<10240xf32, #tpu.memory_space<vmem>>[vector<16xi32>], vector<16xf32>,
          %scan3A_119 = arith.constant 0 : i32
          scf.yield %scan3A_119 : i32
        }
        %scan3A_113 = arith.constant 8 : i32
      } else {
      }
      %while3A_97 = arith.constant 0 : i32
      scf.yield %while3A_97 : i32
    }
    %while3A_67 = arith.constant 1 : i32
    %while3A_68 = scf.for %while3A_73 = %while3A_64 to %while3A_60 step %while3A_67 iter_args(%while3A_74 = %while3A_66) -> (i32)  : i32 {
      %mul3A_75 = arith.constant 2 : i32
      %mul3A_76 = arith.muli %mul3A_75, %while3A_73 : i32
      %add3A_77 = arith.constant 1 : i32
      %add3A_78 = arith.addi %mul3A_76, %add3A_77 : i32
      %lt3A_79 = arith.cmpi slt, %add3A_78, %select_n3A : i32
      %convert_element_type3A_80 = arith.extui %lt3A_79 : i1 to i32
      %cond3A = arith.constant 0 : i32
      %cond3A_81 = arith.cmpi ne, %convert_element_type3A_80, %cond3A : i32
      scf.if %cond3A_81 {
        %add3A_98 = arith.constant 1 : i32
        %add3A_99 = arith.addi %mul3A_76, %add3A_98 : i32
        %add3A_100 = arith.addi %select_n3A_28, %add3A_99 : i32
        %mul3A_101 = arith.constant 128 : i32
        %mul3A_102 = arith.muli %add3A_100, %mul3A_101 : i32
        %run_scoped3A_103 = arith.constant 0 : i32
        "tpu.region"() ({
          %run_scoped3A_108 = tpu.sem_alloc : memref<!tpu.dma_semaphore, #tpu.memory_space<semaphore_mem>>
          %dma_start3A_109 = tpu.memref_slice %arg2[%run_scoped3A_103, %mul3A_102] : memref<2x320000xi32, #tpu.memory_space<hbm>> -> memref<1x128xi32, #tpu.memory_space<hbm>>
          %dma_start3A_110 = tpu.memref_squeeze %dma_start3A_109 : memref<1x128xi32, #tpu.memory_space<hbm>> -> memref<128xi32, #tpu.memory_space<hbm>>
          %dma_start3A_111 = tpu.memref_slice %arg2[%run_scoped3A_103, %mul3A_102] : memref<2x320000xi32, #tpu.memory_space<hbm>> -> memref<1x128xi32, #tpu.memory_space<hbm>>
          %dma_start3A_112 = tpu.memref_squeeze %dma_start3A_111 : memref<1x128xi32, #tpu.memory_space<hbm>> -> memref<128xi32, #tpu.memory_space<hbm>>
          tpu.enqueue_dma source(%dma_start3A_112 : memref<128xi32, #tpu.memory_space<hbm>>) target(%arg15 : memref<128xi32, #tpu.memory_space<vmem>>) target_semaphore(%run_scoped3A_108 : memref<!tpu.dma_semaphore, #tpu.memory_space<semaphore_mem>>)
          %dma_wait3A_113 = tpu.memref_slice %arg2[%run_scoped3A_103, %mul3A_102] : memref<2x320000xi32, #tpu.memory_space<hbm>> -> memref<1x128xi32, #tpu.memory_space<hbm>>
          %dma_wait3A_114 = tpu.memref_squeeze %dma_wait3A_113 : memref<1x128xi32, #tpu.memory_space<hbm>> -> memref<128xi32, #tpu.memory_space<hbm>>
          %dma_wait3A_115 = tpu.memref_slice %arg2[%run_scoped3A_103, %mul3A_102] : memref<2x320000xi32, #tpu.memory_space<hbm>> -> memref<1x128xi32, #tpu.memory_space<hbm>>
          %dma_wait3A_116 = tpu.memref_squeeze %dma_wait3A_115 : memref<1x128xi32, #tpu.memory_space<hbm>> -> memref<128xi32, #tpu.memory_space<hbm>>
          tpu.wait_dma2 semaphore(%run_scoped3A_108 : memref<!tpu.dma_semaphore, #tpu.memory_space<semaphore_mem>>) src(%dma_wait3A_116 : memref<128xi32, #tpu.memory_space<hbm>>) dst(%arg15 : memref<128xi32, #tpu.memory_space<vmem>>)
          tpu.yield
        }) : () -> ()
        %run_scoped3A_104 = arith.constant 1 : i32
        "tpu.region"() ({
          %run_scoped3A_108 = tpu.sem_alloc : memref<!tpu.dma_semaphore, #tpu.memory_space<semaphore_mem>>
          %dma_start3A_109 = tpu.memref_slice %arg2[%run_scoped3A_104, %mul3A_102] : memref<2x320000xi32, #tpu.memory_space<hbm>> -> memref<1x128xi32, #tpu.memory_space<hbm>>
          %dma_start3A_110 = tpu.memref_squeeze %dma_start3A_109 : memref<1x128xi32, #tpu.memory_space<hbm>> -> memref<128xi32, #tpu.memory_space<hbm>>
          %dma_start3A_111 = tpu.memref_slice %arg2[%run_scoped3A_104, %mul3A_102] : memref<2x320000xi32, #tpu.memory_space<hbm>> -> memref<1x128xi32, #tpu.memory_space<hbm>>
          %dma_start3A_112 = tpu.memref_squeeze %dma_start3A_111 : memref<1x128xi32, #tpu.memory_space<hbm>> -> memref<128xi32, #tpu.memory_space<hbm>>
          tpu.enqueue_dma source(%dma_start3A_112 : memref<128xi32, #tpu.memory_space<hbm>>) target(%arg9 : memref<128xi32, #tpu.memory_space<vmem>>) target_semaphore(%run_scoped3A_108 : memref<!tpu.dma_semaphore, #tpu.memory_space<semaphore_mem>>)
          %dma_wait3A_113 = tpu.memref_slice %arg2[%run_scoped3A_104, %mul3A_102] : memref<2x320000xi32, #tpu.memory_space<hbm>> -> memref<1x128xi32, #tpu.memory_space<hbm>>
          %dma_wait3A_114 = tpu.memref_squeeze %dma_wait3A_113 : memref<1x128xi32, #tpu.memory_space<hbm>> -> memref<128xi32, #tpu.memory_space<hbm>>
          %dma_wait3A_115 = tpu.memref_slice %arg2[%run_scoped3A_104, %mul3A_102] : memref<2x320000xi32, #tpu.memory_space<hbm>> -> memref<1x128xi32, #tpu.memory_space<hbm>>
          %dma_wait3A_116 = tpu.memref_squeeze %dma_wait3A_115 : memref<1x128xi32, #tpu.memory_space<hbm>> -> memref<128xi32, #tpu.memory_space<hbm>>
          tpu.wait_dma2 semaphore(%run_scoped3A_108 : memref<!tpu.dma_semaphore, #tpu.memory_space<semaphore_mem>>) src(%dma_wait3A_116 : memref<128xi32, #tpu.memory_space<hbm>>) dst(%arg9 : memref<128xi32, #tpu.memory_space<vmem>>)
          tpu.yield
        }) : () -> ()
        %dma_start3A_105 = arith.constant 0 : i32
        %dma_start3A_106 = arith.constant 0 : i32
        %dma_start3A_107 = tpu.memref_slice %arg3[%dma_start3A_105, %dma_start3A_106] : memref<10000x128xf32, #tpu.memory_space<hbm>> -> memref<10000x128xf32, #tpu.memory_space<hbm>>
        tpu.enqueue_indirect_dma source(%dma_start3A_107 : memref<10000x128xf32, #tpu.memory_space<hbm>>) target(%arg13 : memref<128x128xf32, #tpu.memory_space<vmem>>) offsets(%arg15 : memref<128xi32, #tpu.memory_space<vmem>>) semaphore(%arg11 : memref<!tpu.dma_semaphore, #tpu.memory_space<semaphore_mem>>)
      } else {
      }
      %dma_wait3A = arith.constant 0 : i32
      %dma_wait3A_82 = arith.constant 0 : i32
      %dma_wait3A_83 = tpu.memref_slice %arg3[%dma_wait3A, %dma_wait3A_82] : memref<10000x128xf32, #tpu.memory_space<hbm>> -> memref<10000x128xf32, #tpu.memory_space<hbm>>
      tpu.wait_indirect_dma semaphore(%arg10 : memref<!tpu.dma_semaphore, #tpu.memory_space<semaphore_mem>>) src(%dma_wait3A_83 : memref<10000x128xf32, #tpu.memory_space<hbm>>) dst(%arg12 : memref<128x128xf32, #tpu.memory_space<vmem>>)
      "tpu.region"() ({
        %run_scoped3A_98 = tpu.sem_alloc : memref<!tpu.dma_semaphore, #tpu.memory_space<semaphore_mem>>
        %dma_start3A_99 = arith.constant 0 : i32
        %dma_start3A_100 = arith.constant 0 : i32
        %dma_start3A_101 = tpu.memref_slice %arg16[%dma_start3A_99, %dma_start3A_100] : memref<10240x128xf32, #tpu.memory_space<vmem_shared>> -> memref<10240x128xf32, #tpu.memory_space<vmem_shared>>
        tpu.enqueue_indirect_dma source(%arg12 : memref<128x128xf32, #tpu.memory_space<vmem>>) target(%dma_start3A_101 : memref<10240x128xf32, #tpu.memory_space<vmem_shared>>) offsets(%arg8 : memref<128xi32, #tpu.memory_space<vmem>>) semaphore(%run_scoped3A_98 : memref<!tpu.dma_semaphore, #tpu.memory_space<semaphore_mem>>) {add = true}
        %dma_wait3A_102 = arith.constant 0 : i32
        %dma_wait3A_103 = arith.constant 0 : i32
        %dma_wait3A_104 = tpu.memref_slice %arg16[%dma_wait3A_102, %dma_wait3A_103] : memref<10240x128xf32, #tpu.memory_space<vmem_shared>> -> memref<10240x128xf32, #tpu.memory_space<vmem_shared>>
        tpu.wait_indirect_dma semaphore(%run_scoped3A_98 : memref<!tpu.dma_semaphore, #tpu.memory_space<semaphore_mem>>) src(%arg12 : memref<128x128xf32, #tpu.memory_space<vmem>>) dst(%dma_wait3A_104 : memref<10240x128xf32, #tpu.memory_space<vmem_shared>>)
        tpu.yield
      }) : () -> ()
      %scan3A_84 = arith.constant 0 : i32
      %scan3A_85 = arith.constant 0 : i32
      %scan3A_86 = arith.constant 8 : i32
      %scan3A_87 = arith.addi %scan3A_85, %scan3A_86 : i32
      %scan3A_88 = arith.constant 1 : i32
      %scan3A_89 = scf.for %scan3A_98 = %scan3A_85 to %scan3A_87 step %scan3A_88 iter_args(%scan3A_99 = %scan3A_84) -> (i32)  : i32 {
        %mul3A_100 = arith.constant 16 : i32
        %mul3A_101 = arith.muli %scan3A_98, %mul3A_100 : i32
        %get3A = arith.index_cast %mul3A_101 : i32 to index
        %get3A_102 = tpu.vector_load %arg8[%get3A] {strides = array<i32>} : memref<128xi32, #tpu.memory_space<vmem>>, vector<16xi32>,
        tpu.vector_store_idx %arg7[%get3A_102], %broadcast_in_dim3A_30 {add = true} : memref<10240xf32, #tpu.memory_space<vmem>>[vector<16xi32>], vector<16xf32>,
        %scan3A_103 = arith.constant 0 : i32
        scf.yield %scan3A_103 : i32
      }
      %scan3A_90 = arith.constant 8 : i32
      %add3A_91 = arith.constant 1 : i32
      %add3A_92 = arith.addi %mul3A_76, %add3A_91 : i32
      %lt3A_93 = arith.cmpi slt, %add3A_92, %select_n3A : i32
      %convert_element_type3A_94 = arith.extui %lt3A_93 : i1 to i32
      %cond3A_95 = arith.constant 0 : i32
      %cond3A_96 = arith.cmpi ne, %convert_element_type3A_94, %cond3A_95 : i32
      scf.if %cond3A_96 {
        %add3A_98 = arith.constant 2 : i32
        %add3A_99 = arith.addi %mul3A_76, %add3A_98 : i32
        %lt3A_100 = arith.cmpi slt, %add3A_99, %select_n3A : i32
        %convert_element_type3A_101 = arith.extui %lt3A_100 : i1 to i32
        %cond3A_102 = arith.constant 0 : i32
        %cond3A_103 = arith.cmpi ne, %convert_element_type3A_101, %cond3A_102 : i32
        scf.if %cond3A_103 {
          %add3A_114 = arith.constant 2 : i32
          %add3A_115 = arith.addi %mul3A_76, %add3A_114 : i32
          %add3A_116 = arith.addi %select_n3A_28, %add3A_115 : i32
          %mul3A_117 = arith.constant 128 : i32
          %mul3A_118 = arith.muli %add3A_116, %mul3A_117 : i32
          %run_scoped3A_119 = arith.constant 0 : i32
          "tpu.region"() ({
            %run_scoped3A_124 = tpu.sem_alloc : memref<!tpu.dma_semaphore, #tpu.memory_space<semaphore_mem>>
            %dma_start3A_125 = tpu.memref_slice %arg2[%run_scoped3A_119, %mul3A_118] : memref<2x320000xi32, #tpu.memory_space<hbm>> -> memref<1x128xi32, #tpu.memory_space<hbm>>
            %dma_start3A_126 = tpu.memref_squeeze %dma_start3A_125 : memref<1x128xi32, #tpu.memory_space<hbm>> -> memref<128xi32, #tpu.memory_space<hbm>>
            %dma_start3A_127 = tpu.memref_slice %arg2[%run_scoped3A_119, %mul3A_118] : memref<2x320000xi32, #tpu.memory_space<hbm>> -> memref<1x128xi32, #tpu.memory_space<hbm>>
            %dma_start3A_128 = tpu.memref_squeeze %dma_start3A_127 : memref<1x128xi32, #tpu.memory_space<hbm>> -> memref<128xi32, #tpu.memory_space<hbm>>
            tpu.enqueue_dma source(%dma_start3A_128 : memref<128xi32, #tpu.memory_space<hbm>>) target(%arg14 : memref<128xi32, #tpu.memory_space<vmem>>) target_semaphore(%run_scoped3A_124 : memref<!tpu.dma_semaphore, #tpu.memory_space<semaphore_mem>>)
            %dma_wait3A_129 = tpu.memref_slice %arg2[%run_scoped3A_119, %mul3A_118] : memref<2x320000xi32, #tpu.memory_space<hbm>> -> memref<1x128xi32, #tpu.memory_space<hbm>>
            %dma_wait3A_130 = tpu.memref_squeeze %dma_wait3A_129 : memref<1x128xi32, #tpu.memory_space<hbm>> -> memref<128xi32, #tpu.memory_space<hbm>>
            %dma_wait3A_131 = tpu.memref_slice %arg2[%run_scoped3A_119, %mul3A_118] : memref<2x320000xi32, #tpu.memory_space<hbm>> -> memref<1x128xi32, #tpu.memory_space<hbm>>
            %dma_wait3A_132 = tpu.memref_squeeze %dma_wait3A_131 : memref<1x128xi32, #tpu.memory_space<hbm>> -> memref<128xi32, #tpu.memory_space<hbm>>
            tpu.wait_dma2 semaphore(%run_scoped3A_124 : memref<!tpu.dma_semaphore, #tpu.memory_space<semaphore_mem>>) src(%dma_wait3A_132 : memref<128xi32, #tpu.memory_space<hbm>>) dst(%arg14 : memref<128xi32, #tpu.memory_space<vmem>>)
            tpu.yield
          }) : () -> ()
          %run_scoped3A_120 = arith.constant 1 : i32
          "tpu.region"() ({
            %run_scoped3A_124 = tpu.sem_alloc : memref<!tpu.dma_semaphore, #tpu.memory_space<semaphore_mem>>
            %dma_start3A_125 = tpu.memref_slice %arg2[%run_scoped3A_120, %mul3A_118] : memref<2x320000xi32, #tpu.memory_space<hbm>> -> memref<1x128xi32, #tpu.memory_space<hbm>>
            %dma_start3A_126 = tpu.memref_squeeze %dma_start3A_125 : memref<1x128xi32, #tpu.memory_space<hbm>> -> memref<128xi32, #tpu.memory_space<hbm>>
            %dma_start3A_127 = tpu.memref_slice %arg2[%run_scoped3A_120, %mul3A_118] : memref<2x320000xi32, #tpu.memory_space<hbm>> -> memref<1x128xi32, #tpu.memory_space<hbm>>
            %dma_start3A_128 = tpu.memref_squeeze %dma_start3A_127 : memref<1x128xi32, #tpu.memory_space<hbm>> -> memref<128xi32, #tpu.memory_space<hbm>>
            tpu.enqueue_dma source(%dma_start3A_128 : memref<128xi32, #tpu.memory_space<hbm>>) target(%arg8 : memref<128xi32, #tpu.memory_space<vmem>>) target_semaphore(%run_scoped3A_124 : memref<!tpu.dma_semaphore, #tpu.memory_space<semaphore_mem>>)
            %dma_wait3A_129 = tpu.memref_slice %arg2[%run_scoped3A_120, %mul3A_118] : memref<2x320000xi32, #tpu.memory_space<hbm>> -> memref<1x128xi32, #tpu.memory_space<hbm>>
            %dma_wait3A_130 = tpu.memref_squeeze %dma_wait3A_129 : memref<1x128xi32, #tpu.memory_space<hbm>> -> memref<128xi32, #tpu.memory_space<hbm>>
            %dma_wait3A_131 = tpu.memref_slice %arg2[%run_scoped3A_120, %mul3A_118] : memref<2x320000xi32, #tpu.memory_space<hbm>> -> memref<1x128xi32, #tpu.memory_space<hbm>>
            %dma_wait3A_132 = tpu.memref_squeeze %dma_wait3A_131 : memref<1x128xi32, #tpu.memory_space<hbm>> -> memref<128xi32, #tpu.memory_space<hbm>>
            tpu.wait_dma2 semaphore(%run_scoped3A_124 : memref<!tpu.dma_semaphore, #tpu.memory_space<semaphore_mem>>) src(%dma_wait3A_132 : memref<128xi32, #tpu.memory_space<hbm>>) dst(%arg8 : memref<128xi32, #tpu.memory_space<vmem>>)
            tpu.yield
          }) : () -> ()
          %dma_start3A_121 = arith.constant 0 : i32
          %dma_start3A_122 = arith.constant 0 : i32
          %dma_start3A_123 = tpu.memref_slice %arg3[%dma_start3A_121, %dma_start3A_122] : memref<10000x128xf32, #tpu.memory_space<hbm>> -> memref<10000x128xf32, #tpu.memory_space<hbm>>
          tpu.enqueue_indirect_dma source(%dma_start3A_123 : memref<10000x128xf32, #tpu.memory_space<hbm>>) target(%arg12 : memref<128x128xf32, #tpu.memory_space<vmem>>) offsets(%arg14 : memref<128xi32, #tpu.memory_space<vmem>>) semaphore(%arg10 : memref<!tpu.dma_semaphore, #tpu.memory_space<semaphore_mem>>)
        } else {
        }
        %dma_wait3A_104 = arith.constant 0 : i32
        %dma_wait3A_105 = arith.constant 0 : i32
        %dma_wait3A_106 = tpu.memref_slice %arg3[%dma_wait3A_104, %dma_wait3A_105] : memref<10000x128xf32, #tpu.memory_space<hbm>> -> memref<10000x128xf32, #tpu.memory_space<hbm>>
        tpu.wait_indirect_dma semaphore(%arg11 : memref<!tpu.dma_semaphore, #tpu.memory_space<semaphore_mem>>) src(%dma_wait3A_106 : memref<10000x128xf32, #tpu.memory_space<hbm>>) dst(%arg13 : memref<128x128xf32, #tpu.memory_space<vmem>>)
        "tpu.region"() ({
          %run_scoped3A_114 = tpu.sem_alloc : memref<!tpu.dma_semaphore, #tpu.memory_space<semaphore_mem>>
          %dma_start3A_115 = arith.constant 0 : i32
          %dma_start3A_116 = arith.constant 0 : i32
          %dma_start3A_117 = tpu.memref_slice %arg16[%dma_start3A_115, %dma_start3A_116] : memref<10240x128xf32, #tpu.memory_space<vmem_shared>> -> memref<10240x128xf32, #tpu.memory_space<vmem_shared>>
          tpu.enqueue_indirect_dma source(%arg13 : memref<128x128xf32, #tpu.memory_space<vmem>>) target(%dma_start3A_117 : memref<10240x128xf32, #tpu.memory_space<vmem_shared>>) offsets(%arg9 : memref<128xi32, #tpu.memory_space<vmem>>) semaphore(%run_scoped3A_114 : memref<!tpu.dma_semaphore, #tpu.memory_space<semaphore_mem>>) {add = true}
          %dma_wait3A_118 = arith.constant 0 : i32
          %dma_wait3A_119 = arith.constant 0 : i32
          %dma_wait3A_120 = tpu.memref_slice %arg16[%dma_wait3A_118, %dma_wait3A_119] : memref<10240x128xf32, #tpu.memory_space<vmem_shared>> -> memref<10240x128xf32, #tpu.memory_space<vmem_shared>>
          tpu.wait_indirect_dma semaphore(%run_scoped3A_114 : memref<!tpu.dma_semaphore, #tpu.memory_space<semaphore_mem>>) src(%arg13 : memref<128x128xf32, #tpu.memory_space<vmem>>) dst(%dma_wait3A_120 : memref<10240x128xf32, #tpu.memory_space<vmem_shared>>)
          tpu.yield
        }) : () -> ()
        %scan3A_107 = arith.constant 0 : i32
        %scan3A_108 = arith.constant 0 : i32
        %scan3A_109 = arith.constant 8 : i32
        %scan3A_110 = arith.addi %scan3A_108, %scan3A_109 : i32
        %scan3A_111 = arith.constant 1 : i32
        %scan3A_112 = scf.for %scan3A_114 = %scan3A_108 to %scan3A_110 step %scan3A_111 iter_args(%scan3A_115 = %scan3A_107) -> (i32)  : i32 {
          %mul3A_116 = arith.constant 16 : i32
          %mul3A_117 = arith.muli %scan3A_114, %mul3A_116 : i32
          %get3A = arith.index_cast %mul3A_117 : i32 to index
          %get3A_118 = tpu.vector_load %arg9[%get3A] {strides = array<i32>} : memref<128xi32, #tpu.memory_space<vmem>>, vector<16xi32>,
          tpu.vector_store_idx %arg7[%get3A_118], %broadcast_in_dim3A_30 {add = true} : memref<10240xf32, #tpu.memory_space<vmem>>[vector<16xi32>], vector<16xf32>,
          %scan3A_119 = arith.constant 0 : i32
          scf.yield %scan3A_119 : i32
        }
        %scan3A_113 = arith.constant 8 : i32
      } else {
      }
      %while3A_97 = arith.constant 0 : i32
      scf.yield %while3A_97 : i32
    }
    %barrier3A_69 = arith.constant 0 : index
    tpu.barrier barrier_id(%barrier3A_69)
    "tpu.region"() ({
      %run_scoped3A_73 = tpu.sem_alloc : memref<!tpu.dma_semaphore, #tpu.memory_space<semaphore_mem>>
      %dma_start3A_74 = arith.constant 0 : i32
      %dma_start3A_75 = tpu.memref_slice %arg5[%arg0, %mul3A_7, %dma_start3A_74] : memref<2x10240x128xf32, #tpu.memory_space<hbm>> -> memref<1x640x128xf32, #tpu.memory_space<hbm>>
      %dma_start3A_76 = tpu.memref_squeeze %dma_start3A_75 : memref<1x640x128xf32, #tpu.memory_space<hbm>> -> memref<640x128xf32, #tpu.memory_space<hbm>>
      %dma_start3A_77 = arith.constant 0 : i32
      %dma_start3A_78 = tpu.memref_slice %arg16[%mul3A_7, %dma_start3A_77] : memref<10240x128xf32, #tpu.memory_space<vmem_shared>> -> memref<640x128xf32, #tpu.memory_space<vmem_shared>>
      tpu.enqueue_dma source(%dma_start3A_78 : memref<640x128xf32, #tpu.memory_space<vmem_shared>>) target(%dma_start3A_76 : memref<640x128xf32, #tpu.memory_space<hbm>>) target_semaphore(%run_scoped3A_73 : memref<!tpu.dma_semaphore, #tpu.memory_space<semaphore_mem>>)
      %dma_wait3A = arith.constant 0 : i32
      %dma_wait3A_79 = tpu.memref_slice %arg5[%arg0, %mul3A_7, %dma_wait3A] : memref<2x10240x128xf32, #tpu.memory_space<hbm>> -> memref<1x640x128xf32, #tpu.memory_space<hbm>>
      %dma_wait3A_80 = tpu.memref_squeeze %dma_wait3A_79 : memref<1x640x128xf32, #tpu.memory_space<hbm>> -> memref<640x128xf32, #tpu.memory_space<hbm>>
      %dma_wait3A_81 = arith.constant 0 : i32
      %dma_wait3A_82 = tpu.memref_slice %arg16[%mul3A_7, %dma_wait3A_81] : memref<10240x128xf32, #tpu.memory_space<vmem_shared>> -> memref<640x128xf32, #tpu.memory_space<vmem_shared>>
      tpu.wait_dma2 semaphore(%run_scoped3A_73 : memref<!tpu.dma_semaphore, #tpu.memory_space<semaphore_mem>>) src(%dma_wait3A_82 : memref<640x128xf32, #tpu.memory_space<vmem_shared>>) dst(%dma_wait3A_80 : memref<640x128xf32, #tpu.memory_space<hbm>>)
      tpu.yield
    }) : () -> ()
    %mul3A_70 = arith.constant 16 : i32
    %mul3A_71 = arith.muli %arg0, %mul3A_70 : i32
    %add3A_72 = arith.addi %mul3A_71, %arg1 : i32
    "tpu.region"() ({
      %run_scoped3A_73 = tpu.sem_alloc : memref<!tpu.dma_semaphore, #tpu.memory_space<semaphore_mem>>
      %dma_start3A_74 = arith.constant 0 : i32
      %dma_start3A_75 = tpu.memref_slice %arg6[%add3A_72, %dma_start3A_74] : memref<32x10240xf32, #tpu.memory_space<hbm>> -> memref<1x10240xf32, #tpu.memory_space<hbm>>
      %dma_start3A_76 = tpu.memref_squeeze %dma_start3A_75 : memref<1x10240xf32, #tpu.memory_space<hbm>> -> memref<10240xf32, #tpu.memory_space<hbm>>
      %dma_start3A_77 = arith.constant 0 : i32
      %dma_start3A_78 = tpu.memref_slice %arg6[%add3A_72, %dma_start3A_77] : memref<32x10240xf32, #tpu.memory_space<hbm>> -> memref<1x10240xf32, #tpu.memory_space<hbm>>
      %dma_start3A_79 = tpu.memref_squeeze %dma_start3A_78 : memref<1x10240xf32, #tpu.memory_space<hbm>> -> memref<10240xf32, #tpu.memory_space<hbm>>
      tpu.enqueue_dma source(%arg7 : memref<10240xf32, #tpu.memory_space<vmem>>) target(%dma_start3A_79 : memref<10240xf32, #tpu.memory_space<hbm>>) target_semaphore(%run_scoped3A_73 : memref<!tpu.dma_semaphore, #tpu.memory_space<semaphore_mem>>)
      %dma_wait3A = arith.constant 0 : i32
      %dma_wait3A_80 = tpu.memref_slice %arg6[%add3A_72, %dma_wait3A] : memref<32x10240xf32, #tpu.memory_space<hbm>> -> memref<1x10240xf32, #tpu.memory_space<hbm>>
      %dma_wait3A_81 = tpu.memref_squeeze %dma_wait3A_80 : memref<1x10240xf32, #tpu.memory_space<hbm>> -> memref<10240xf32, #tpu.memory_space<hbm>>
      %dma_wait3A_82 = arith.constant 0 : i32
      %dma_wait3A_83 = tpu.memref_slice %arg6[%add3A_72, %dma_wait3A_82] : memref<32x10240xf32, #tpu.memory_space<hbm>> -> memref<1x10240xf32, #tpu.memory_space<hbm>>
      %dma_wait3A_84 = tpu.memref_squeeze %dma_wait3A_83 : memref<1x10240xf32, #tpu.memory_space<hbm>> -> memref<10240xf32, #tpu.memory_space<hbm>>
      tpu.wait_dma2 semaphore(%run_scoped3A_73 : memref<!tpu.dma_semaphore, #tpu.memory_space<semaphore_mem>>) src(%arg7 : memref<10240xf32, #tpu.memory_space<vmem>>) dst(%dma_wait3A_84 : memref<10240xf32, #tpu.memory_space<hbm>>)
      tpu.yield
    }) : () -> ()
    return
  }
}

module attributes {stable_mosaic.version = 14 : i64} {
  func.func @_cntred_body(%arg0: i32, %arg1: memref<32x2560xf32, #tpu.memory_space<vmem>>, %arg2: memref<2560x1xf32, #tpu.memory_space<vmem>>) attributes {dimension_semantics = [#tpu.dimension_semantics<arbitrary>], iteration_bounds = array<i64: 4>, scalar_prefetch = 0 : i64, scratch_operands = 0 : i64, tpu.core_type = #tpu.core_type<tc>, window_params = [{transform_indices = @transform_0, window_bounds = array<i64: 32, 2560>}, {transform_indices = @transform_1, window_bounds = array<i64: 2560, 1>}]} {
    %get3A = arith.constant 0 : index
    %get3A_0 = arith.constant 0 : index
    %get3A_1 = vector.load %arg1[%get3A, %get3A_0] : memref<32x2560xf32, #tpu.memory_space<vmem>>, vector<32x2560xf32>
    %reduce_sum3A = arith.constant dense<0.000000e+00> : vector<2560xf32>
    %reduce_sum3A_2 = vector.multi_reduction <add>, %get3A_1, %reduce_sum3A [0] : vector<32x2560xf32> to vector<2560xf32>
    %max3A = arith.constant 1.000000e+00 : f32
    %max3A_3 = vector.broadcast %max3A : f32 to vector<2560xf32>
    %max3A_4 = arith.maximumf %reduce_sum3A_2, %max3A_3 : vector<2560xf32>
    %div3A = arith.constant 1.000000e+00 : f32
    %div3A_5 = vector.broadcast %div3A : f32 to vector<2560xf32>
    %div3A_6 = arith.divf %div3A_5, %max3A_4 : vector<2560xf32>
    %broadcast_in_dim3A = vector.shape_cast %div3A_6 : vector<2560xf32> to vector<2560x1xf32>
    %swap3A = arith.constant 0 : index
    %swap3A_7 = arith.constant 0 : index
    %swap3A_8 = vector.load %arg2[%swap3A, %swap3A_7] : memref<2560x1xf32, #tpu.memory_space<vmem>>, vector<2560x1xf32>
    tpu.vector_store %arg2[%swap3A, %swap3A_7], %broadcast_in_dim3A {strides = array<i32>} : memref<2560x1xf32, #tpu.memory_space<vmem>>, vector<2560x1xf32>,
    return
  }
  func.func @transform_0(%arg0: i32) -> (i32, i32) {
    %c0_i32 = arith.constant 0 : i32
    %c0_i32_0 = arith.constant 0 : i32
    return %c0_i32, %arg0 : i32, i32
  }
  func.func @transform_1(%arg0: i32) -> (i32, i32) {
    %c0_i32 = arith.constant 0 : i32
    %c0_i32_0 = arith.constant 0 : i32
    return %arg0, %c0_i32 : i32, i32
  }
}

module attributes {stable_mosaic.version = 14 : i64} {
  func.func @_layer1_body(%arg0: i32, %arg1: memref<1000x128xf32, #tpu.memory_space<vmem>>, %arg2: memref<1000x128xf32, #tpu.memory_space<vmem>>, %arg3: memref<1000x1xf32, #tpu.memory_space<vmem>>, %arg4: memref<1000x128xf32, #tpu.memory_space<vmem>>, %arg5: memref<128x128xf32, #tpu.memory_space<vmem>>, %arg6: memref<128x128xf32, #tpu.memory_space<vmem>>, %arg7: memref<1x128xf32, #tpu.memory_space<vmem>>, %arg8: memref<1000x128xf32, #tpu.memory_space<vmem>>) attributes {dimension_semantics = [#tpu.dimension_semantics<arbitrary>], iteration_bounds = array<i64: 10>, scalar_prefetch = 0 : i64, scratch_operands = 0 : i64, tpu.core_type = #tpu.core_type<tc>, window_params = [{transform_indices = @transform_0, window_bounds = array<i64: 1000, 128>}, {transform_indices = @transform_1, window_bounds = array<i64: 1000, 128>}, {transform_indices = @transform_2, window_bounds = array<i64: 1000, 1>}, {transform_indices = @transform_3, window_bounds = array<i64: 1000, 128>}, {pipeline_mode = #tpu.pipeline_mode<synchronous>, transform_indices = @transform_4, window_bounds = array<i64: 128, 128>}, {pipeline_mode = #tpu.pipeline_mode<synchronous>, transform_indices = @transform_5, window_bounds = array<i64: 128, 128>}, {pipeline_mode = #tpu.pipeline_mode<synchronous>, transform_indices = @transform_6, window_bounds = array<i64: 1, 128>}, {transform_indices = @transform_7, window_bounds = array<i64: 1000, 128>}]} {
    %get3A = arith.constant 0 : index
    %get3A_0 = arith.constant 0 : index
    %get3A_1 = vector.load %arg1[%get3A, %get3A_0] : memref<1000x128xf32, #tpu.memory_space<vmem>>, vector<1000x128xf32>
    %get3A_2 = arith.constant 0 : index
    %get3A_3 = arith.constant 0 : index
    %get3A_4 = vector.load %arg2[%get3A_2, %get3A_3] : memref<1000x128xf32, #tpu.memory_space<vmem>>, vector<1000x128xf32>
    %add3A = arith.addf %get3A_1, %get3A_4 : vector<1000x128xf32>
    %get3A_5 = arith.constant 0 : index
    %get3A_6 = arith.constant 0 : index
    %get3A_7 = vector.load %arg3[%get3A_5, %get3A_6] : memref<1000x1xf32, #tpu.memory_space<vmem>>, vector<1000x1xf32>
    %mul3A = vector.broadcast %get3A_7 : vector<1000x1xf32> to vector<1000x128xf32>
    %mul3A_8 = arith.mulf %add3A, %mul3A : vector<1000x128xf32>
    %get3A_9 = arith.constant 0 : index
    %get3A_10 = arith.constant 0 : index
    %get3A_11 = vector.load %arg5[%get3A_9, %get3A_10] : memref<128x128xf32, #tpu.memory_space<vmem>>, vector<128x128xf32>
    %dot_general3A = arith.constant dense<0.000000e+00> : vector<1000x128xf32>
    %dot_general3A_12 = tpu.matmul %mul3A_8, %get3A_11, %dot_general3A {dimension_numbers = #tpu.dot_dimension_numbers<[1], [0], [0], [1], [0, 0, 1, 1], [], []>, transpose_lhs_hint = false} : vector<1000x128xf32>, vector<128x128xf32>, vector<1000x128xf32> -> vector<1000x128xf32>
    %get3A_13 = arith.constant 0 : index
    %get3A_14 = arith.constant 0 : index
    %get3A_15 = vector.load %arg4[%get3A_13, %get3A_14] : memref<1000x128xf32, #tpu.memory_space<vmem>>, vector<1000x128xf32>
    %get3A_16 = arith.constant 0 : index
    %get3A_17 = arith.constant 0 : index
    %get3A_18 = vector.load %arg6[%get3A_16, %get3A_17] : memref<128x128xf32, #tpu.memory_space<vmem>>, vector<128x128xf32>
    %dot_general3A_19 = arith.constant dense<0.000000e+00> : vector<1000x128xf32>
    %dot_general3A_20 = tpu.matmul %get3A_15, %get3A_18, %dot_general3A_19 {dimension_numbers = #tpu.dot_dimension_numbers<[1], [0], [0], [1], [0, 0, 1, 1], [], []>, transpose_lhs_hint = false} : vector<1000x128xf32>, vector<128x128xf32>, vector<1000x128xf32> -> vector<1000x128xf32>
    %add3A_21 = arith.addf %dot_general3A_12, %dot_general3A_20 : vector<1000x128xf32>
    %get3A_22 = arith.constant 0 : index
    %get3A_23 = arith.constant 0 : index
    %get3A_24 = vector.load %arg7[%get3A_22, %get3A_23] : memref<1x128xf32, #tpu.memory_space<vmem>>, vector<1x128xf32>
    %add3A_25 = vector.broadcast %get3A_24 : vector<1x128xf32> to vector<1000x128xf32>
    %add3A_26 = arith.addf %add3A_21, %add3A_25 : vector<1000x128xf32>
    %max3A = arith.constant 0.000000e+00 : f32
    %max3A_27 = vector.broadcast %max3A : f32 to vector<1000x128xf32>
    %max3A_28 = arith.maximumf %add3A_26, %max3A_27 : vector<1000x128xf32>
    %swap3A = arith.constant 0 : index
    %swap3A_29 = arith.constant 0 : index
    %swap3A_30 = vector.load %arg8[%swap3A, %swap3A_29] : memref<1000x128xf32, #tpu.memory_space<vmem>>, vector<1000x128xf32>
    tpu.vector_store %arg8[%swap3A, %swap3A_29], %max3A_28 {strides = array<i32>} : memref<1000x128xf32, #tpu.memory_space<vmem>>, vector<1000x128xf32>,
    return
  }
  func.func @transform_0(%arg0: i32) -> (i32, i32) {
    %c0_i32 = arith.constant 0 : i32
    %c0_i32_0 = arith.constant 0 : i32
    return %arg0, %c0_i32 : i32, i32
  }
  func.func @transform_1(%arg0: i32) -> (i32, i32) {
    %c0_i32 = arith.constant 0 : i32
    %c0_i32_0 = arith.constant 0 : i32
    return %arg0, %c0_i32 : i32, i32
  }
  func.func @transform_2(%arg0: i32) -> (i32, i32) {
    %c0_i32 = arith.constant 0 : i32
    %c0_i32_0 = arith.constant 0 : i32
    return %arg0, %c0_i32 : i32, i32
  }
  func.func @transform_3(%arg0: i32) -> (i32, i32) {
    %c0_i32 = arith.constant 0 : i32
    %c0_i32_0 = arith.constant 0 : i32
    return %arg0, %c0_i32 : i32, i32
  }
  func.func @transform_4(%arg0: i32) -> (i32, i32) {
    %c0_i32 = arith.constant 0 : i32
    %c0_i32_0 = arith.constant 0 : i32
    %c0_i32_1 = arith.constant 0 : i32
    return %c0_i32, %c0_i32_0 : i32, i32
  }
  func.func @transform_5(%arg0: i32) -> (i32, i32) {
    %c0_i32 = arith.constant 0 : i32
    %c0_i32_0 = arith.constant 0 : i32
    %c0_i32_1 = arith.constant 0 : i32
    return %c0_i32, %c0_i32_0 : i32, i32
  }
  func.func @transform_6(%arg0: i32) -> (i32, i32) {
    %c0_i32 = arith.constant 0 : i32
    %c0_i32_0 = arith.constant 0 : i32
    %c0_i32_1 = arith.constant 0 : i32
    return %c0_i32, %c0_i32_0 : i32, i32
  }
  func.func @transform_7(%arg0: i32) -> (i32, i32) {
    %c0_i32 = arith.constant 0 : i32
    %c0_i32_0 = arith.constant 0 : i32
    return %arg0, %c0_i32 : i32, i32
  }
}

module attributes {stable_mosaic.version = 14 : i64} {
  func.func @_layer2_body(%arg0: i32, %arg1: memref<1000x128xf32, #tpu.memory_space<vmem>>, %arg2: memref<1000x128xf32, #tpu.memory_space<vmem>>, %arg3: memref<1000x1xf32, #tpu.memory_space<vmem>>, %arg4: memref<1000x128xf32, #tpu.memory_space<vmem>>, %arg5: memref<128x128xf32, #tpu.memory_space<vmem>>, %arg6: memref<128x128xf32, #tpu.memory_space<vmem>>, %arg7: memref<1x128xf32, #tpu.memory_space<vmem>>, %arg8: memref<128x3xf32, #tpu.memory_space<vmem>>, %arg9: memref<1x3xf32, #tpu.memory_space<vmem>>, %arg10: memref<1000x3xf32, #tpu.memory_space<vmem>>) attributes {dimension_semantics = [#tpu.dimension_semantics<arbitrary>], iteration_bounds = array<i64: 10>, scalar_prefetch = 0 : i64, scratch_operands = 0 : i64, tpu.core_type = #tpu.core_type<tc>, window_params = [{transform_indices = @transform_0, window_bounds = array<i64: 1000, 128>}, {transform_indices = @transform_1, window_bounds = array<i64: 1000, 128>}, {transform_indices = @transform_2, window_bounds = array<i64: 1000, 1>}, {transform_indices = @transform_3, window_bounds = array<i64: 1000, 128>}, {pipeline_mode = #tpu.pipeline_mode<synchronous>, transform_indices = @transform_4, window_bounds = array<i64: 128, 128>}, {pipeline_mode = #tpu.pipeline_mode<synchronous>, transform_indices = @transform_5, window_bounds = array<i64: 128, 128>}, {pipeline_mode = #tpu.pipeline_mode<synchronous>, transform_indices = @transform_6, window_bounds = array<i64: 1, 128>}, {pipeline_mode = #tpu.pipeline_mode<synchronous>, transform_indices = @transform_7, window_bounds = array<i64: 128, 3>}, {pipeline_mode = #tpu.pipeline_mode<synchronous>, transform_indices = @transform_8, window_bounds = array<i64: 1, 3>}, {transform_indices = @transform_9, window_bounds = array<i64: 1000, 3>}]} {
    %get3A = arith.constant 0 : index
    %get3A_0 = arith.constant 0 : index
    %get3A_1 = vector.load %arg1[%get3A, %get3A_0] : memref<1000x128xf32, #tpu.memory_space<vmem>>, vector<1000x128xf32>
    %get3A_2 = arith.constant 0 : index
    %get3A_3 = arith.constant 0 : index
    %get3A_4 = vector.load %arg2[%get3A_2, %get3A_3] : memref<1000x128xf32, #tpu.memory_space<vmem>>, vector<1000x128xf32>
    %add3A = arith.addf %get3A_1, %get3A_4 : vector<1000x128xf32>
    %get3A_5 = arith.constant 0 : index
    %get3A_6 = arith.constant 0 : index
    %get3A_7 = vector.load %arg3[%get3A_5, %get3A_6] : memref<1000x1xf32, #tpu.memory_space<vmem>>, vector<1000x1xf32>
    %mul3A = vector.broadcast %get3A_7 : vector<1000x1xf32> to vector<1000x128xf32>
    %mul3A_8 = arith.mulf %add3A, %mul3A : vector<1000x128xf32>
    %get3A_9 = arith.constant 0 : index
    %get3A_10 = arith.constant 0 : index
    %get3A_11 = vector.load %arg5[%get3A_9, %get3A_10] : memref<128x128xf32, #tpu.memory_space<vmem>>, vector<128x128xf32>
    %dot_general3A = arith.constant dense<0.000000e+00> : vector<1000x128xf32>
    %dot_general3A_12 = tpu.matmul %mul3A_8, %get3A_11, %dot_general3A {dimension_numbers = #tpu.dot_dimension_numbers<[1], [0], [0], [1], [0, 0, 1, 1], [], []>, transpose_lhs_hint = false} : vector<1000x128xf32>, vector<128x128xf32>, vector<1000x128xf32> -> vector<1000x128xf32>
    %get3A_13 = arith.constant 0 : index
    %get3A_14 = arith.constant 0 : index
    %get3A_15 = vector.load %arg4[%get3A_13, %get3A_14] : memref<1000x128xf32, #tpu.memory_space<vmem>>, vector<1000x128xf32>
    %get3A_16 = arith.constant 0 : index
    %get3A_17 = arith.constant 0 : index
    %get3A_18 = vector.load %arg6[%get3A_16, %get3A_17] : memref<128x128xf32, #tpu.memory_space<vmem>>, vector<128x128xf32>
    %dot_general3A_19 = arith.constant dense<0.000000e+00> : vector<1000x128xf32>
    %dot_general3A_20 = tpu.matmul %get3A_15, %get3A_18, %dot_general3A_19 {dimension_numbers = #tpu.dot_dimension_numbers<[1], [0], [0], [1], [0, 0, 1, 1], [], []>, transpose_lhs_hint = false} : vector<1000x128xf32>, vector<128x128xf32>, vector<1000x128xf32> -> vector<1000x128xf32>
    %add3A_21 = arith.addf %dot_general3A_12, %dot_general3A_20 : vector<1000x128xf32>
    %get3A_22 = arith.constant 0 : index
    %get3A_23 = arith.constant 0 : index
    %get3A_24 = vector.load %arg7[%get3A_22, %get3A_23] : memref<1x128xf32, #tpu.memory_space<vmem>>, vector<1x128xf32>
    %add3A_25 = vector.broadcast %get3A_24 : vector<1x128xf32> to vector<1000x128xf32>
    %add3A_26 = arith.addf %add3A_21, %add3A_25 : vector<1000x128xf32>
    %max3A = arith.constant 0.000000e+00 : f32
    %max3A_27 = vector.broadcast %max3A : f32 to vector<1000x128xf32>
    %max3A_28 = arith.maximumf %add3A_26, %max3A_27 : vector<1000x128xf32>
    %get3A_29 = arith.constant 0 : index
    %get3A_30 = arith.constant 0 : index
    %get3A_31 = vector.load %arg8[%get3A_29, %get3A_30] : memref<128x3xf32, #tpu.memory_space<vmem>>, vector<128x3xf32>
    %dot_general3A_32 = arith.constant dense<0.000000e+00> : vector<1000x3xf32>
    %dot_general3A_33 = tpu.matmul %max3A_28, %get3A_31, %dot_general3A_32 {dimension_numbers = #tpu.dot_dimension_numbers<[1], [0], [0], [1], [0, 0, 1, 1], [], []>, transpose_lhs_hint = false} : vector<1000x128xf32>, vector<128x3xf32>, vector<1000x3xf32> -> vector<1000x3xf32>
    %get3A_34 = arith.constant 0 : index
    %get3A_35 = arith.constant 0 : index
    %get3A_36 = vector.load %arg9[%get3A_34, %get3A_35] : memref<1x3xf32, #tpu.memory_space<vmem>>, vector<1x3xf32>
    %add3A_37 = vector.broadcast %get3A_36 : vector<1x3xf32> to vector<1000x3xf32>
    %add3A_38 = arith.addf %dot_general3A_33, %add3A_37 : vector<1000x3xf32>
    %swap3A = arith.constant 0 : index
    %swap3A_39 = arith.constant 0 : index
    %swap3A_40 = vector.load %arg10[%swap3A, %swap3A_39] : memref<1000x3xf32, #tpu.memory_space<vmem>>, vector<1000x3xf32>
    tpu.vector_store %arg10[%swap3A, %swap3A_39], %add3A_38 {strides = array<i32>} : memref<1000x3xf32, #tpu.memory_space<vmem>>, vector<1000x3xf32>,
    return
  }
  func.func @transform_0(%arg0: i32) -> (i32, i32) {
    %c0_i32 = arith.constant 0 : i32
    %c0_i32_0 = arith.constant 0 : i32
    return %arg0, %c0_i32 : i32, i32
  }
  func.func @transform_1(%arg0: i32) -> (i32, i32) {
    %c0_i32 = arith.constant 0 : i32
    %c0_i32_0 = arith.constant 0 : i32
    return %arg0, %c0_i32 : i32, i32
  }
  func.func @transform_2(%arg0: i32) -> (i32, i32) {
    %c0_i32 = arith.constant 0 : i32
    %c0_i32_0 = arith.constant 0 : i32
    return %arg0, %c0_i32 : i32, i32
  }
  func.func @transform_3(%arg0: i32) -> (i32, i32) {
    %c0_i32 = arith.constant 0 : i32
    %c0_i32_0 = arith.constant 0 : i32
    return %arg0, %c0_i32 : i32, i32
  }
  func.func @transform_4(%arg0: i32) -> (i32, i32) {
    %c0_i32 = arith.constant 0 : i32
    %c0_i32_0 = arith.constant 0 : i32
    %c0_i32_1 = arith.constant 0 : i32
    return %c0_i32, %c0_i32_0 : i32, i32
  }
  func.func @transform_5(%arg0: i32) -> (i32, i32) {
    %c0_i32 = arith.constant 0 : i32
    %c0_i32_0 = arith.constant 0 : i32
    %c0_i32_1 = arith.constant 0 : i32
    return %c0_i32, %c0_i32_0 : i32, i32
  }
  func.func @transform_6(%arg0: i32) -> (i32, i32) {
    %c0_i32 = arith.constant 0 : i32
    %c0_i32_0 = arith.constant 0 : i32
    %c0_i32_1 = arith.constant 0 : i32
    return %c0_i32, %c0_i32_0 : i32, i32
  }
  func.func @transform_7(%arg0: i32) -> (i32, i32) {
    %c0_i32 = arith.constant 0 : i32
    %c0_i32_0 = arith.constant 0 : i32
    %c0_i32_1 = arith.constant 0 : i32
    return %c0_i32, %c0_i32_0 : i32, i32
  }
  func.func @transform_8(%arg0: i32) -> (i32, i32) {
    %c0_i32 = arith.constant 0 : i32
    %c0_i32_0 = arith.constant 0 : i32
    %c0_i32_1 = arith.constant 0 : i32
    return %c0_i32, %c0_i32_0 : i32, i32
  }
  func.func @transform_9(%arg0: i32) -> (i32, i32) {
    %c0_i32 = arith.constant 0 : i32
    %c0_i32_0 = arith.constant 0 : i32
    return %arg0, %c0_i32 : i32, i32
  }
}

</mosaic_0001>

<sc_bundles>
// kernel: kernel.10.cloned.1.call-start
scs
__scs_entry_jumppad:
0x0: {  	(pc) =	sbr.rel $0x88, $3  }
0x1: {  	(tag) =	ssettag $0x0;
	lr =	simm.s32 $0x1  }
0x2: {  	[smem:$0x3F97] =	sst lr;
	_ =	strace $0xD0000000  }
0x3: {  	_ = 	snop  }
0x4: {  	_ = 	snop  }
0x5: {  	_ = 	snop  }
0x6: {  	_ = 	snop  }
0x7: {  	_ = 	snop  }
__scs_overlays_trampoline_lowered:
0x8: {  	[smem:$0x3FA6] =	sst s0  }
0x9: {  	[smem:$0x3FA7] =	sst s1  }
0xa: {  	[smem:$0x3FA8] =	sst s2  }
0xb: {  	[smem:$0x3FA9] =	sst s3  }
0xc: {  	[smem:$0x3FAA] =	sst s4  }
0xd: {  	[smem:$0x3FAB] =	sst s5  }
0xe: {  	[smem:$0x3FAC] =	sst s6  }
0xf: {  	[smem:$0x3FAD] =	sst s7  }
0x10: {  	[smem:$0x3FAE] =	sst s8  }
0x11: {  	[smem:$0x3FAF] =	sst s9;
	s0 =	simm.s32 @!p0 $0x0  }
0x12: {  	s1 =	sld [smem:$0x3F95];
	s0 =	simm.s32 @p0 $0x1  }
0x13: {  	[smem:$0x3FB0] =	sst s0;
	s0 =	simm.s32 @!p1 $0x0  }
0x14: {  	s2 =	sld [smem:$0x3F94];
	s0 =	simm.s32 @p1 $0x1  }
0x15: {  	[smem:$0x3FB1] =	sst s0;
	s0 =	simm.s32 @!p2 $0x0  }
0x16: {  	s3 =	sld [smem:$0x3FDB];
	s0 =	simm.s32 @p2 $0x1  }
0x17: {  	s4 =	simm.s32 $0x1BF5;
	[smem:$0x3FB3] =	sst s0  }
0x18: {  	s0 =	sld [smem:$0x3F96];
	_ =	swait.ge [sflag:s4], $0x0  }
0x19: {  	s7 =	sld [smem:$0x3F97]  }
0x1a: {  	s8 =	sadd.s32 $0xFFFFE003, lr  }
0x1b: {  	s9 =	sadd.s32 $0xFFFFFEF7, lr;
	s5 =	simm.s32 $0xFFFFFFFF;
	p2 =	slt.u32 s8, $0xFFFFF086  }
0x1c: {  	p1 =	slt.u32 s9, $0xF7A;
	s5 =	simm.s32 @!p2 $0x0  }
0x1d: {  	s5 =	simm.s32 @p1 $0x1;
	p0 =	seq.s32 s7, s2  }
0x1e: {  	s7 =	smul.u32 @!p0 $0xF7A, s2;
	p2 =	seq.s32 @!p0 s5, $0x0  }
0x1f: {  	s9 =	smul.u32 $0xF7A, s1;
	s8 =	simm.s32 @!p0 $0x1BF5;
	p2 =	por !p2, p0  }
0x20: {  	[sflag:s8] =	ssyncset.s32 @!p0 $0xFFFFF086;
	s6 =	sadd.s32 @!p0 s3, s7;
	s7 =	simm.s32 @!p0 $0x108  }
0x21: {  	s3 =	sadd.s32 s3, s9;
	s6 =	sadd.s32 @!p0 $0x88, s6;
	s7 =	simm.s32 @p2 $0x1082  }
0x22: {  	[simem:s7], [sflag:s8] =	dma.local @!p0 [hbm:s6], $0xF7A  }
0x23: {  	s9 =	sor.u32 $0xD0000000, s2;
	s6 =	simm.s32 $0x108;
	_ =	swait.ge @!p0 [sflag:s8], $0x0  }
0x24: {  	s3 =	sadd.s32 $0x88, s3;
	s6 =	simm.s32 @!p1 $0x1082;
	[sflag:s4] =	ssyncset.s32 $0xFFFFF086  }
0x25: {  	[simem:s6], [sflag:s4] =	dma.local [hbm:s3], $0xF7A  }
0x26: {  	[smem:$0x3F97] =	sst s1;
	(tag) =	ssettag s2;
	_ =	strace s9  }
0x27: {  	s1 =	sld [smem:$0x3FA7]  }
0x28: {  	s2 =	sld [smem:$0x3FA8]  }
0x29: {  	s4 =	sld [smem:$0x3FAA]  }
0x2a: {  	p0 =	seq.s32 s5, $0x0;
	s5 =	sld [smem:$0x3FAB]  }
0x2b: {  	s6 =	sld [smem:$0x3FAC]  }
0x2c: {  	s7 =	sld [smem:$0x3FAD]  }
0x2d: {  	s3 =	simm.s32 $0x108;
	s8 =	sld [smem:$0x3FAE]  }
0x2e: {  	s3 =	simm.s32 @!p0 $0x1082;
	s9 =	sld [smem:$0x3FAF]  }
0x2f: {  	lr =	sadd.s32 s0, s3;
	s0 =	sld [smem:$0x3FA6]  }
0x30: {  	s3 =	sld [smem:$0x3FA9]  }
0x31: {  	[smem:$0x3FB2] =	sst s10  }
0x32: {  	s10 =	sld [smem:$0x3FB0];
	_ =	sdelay $0x3  }
0x33: {  	p0 =	seq.s32 s10, $0x1;
	s10 =	sld [smem:$0x3FB2];
	_ =	sdelay $0x3  }
0x34: {  	[smem:$0x3FB2] =	sst s10  }
0x35: {  	s10 =	sld [smem:$0x3FB1];
	_ =	sdelay $0x3  }
0x36: {  	p1 =	seq.s32 s10, $0x1;
	s10 =	sld [smem:$0x3FB2];
	_ =	sdelay $0x3  }
0x37: {  	[smem:$0x3FB2] =	sst s10  }
0x38: {  	s10 =	sld [smem:$0x3FB3]  }
0x39: {  	_ = 	snop;
	(pc) =	sbr.ind lr, $3  }
0x3a: {  	_ = 	snop  }
0x3b: {  	_ = 	snop  }
0x3c: {  	p2 =	seq.s32 s10, $0x1;
	s10 =	sld [smem:$0x3FB2]  }
0x3d: {  	_ =	shalt  }
0x3e: {  	_ =	shalt  }
0x3f: {  	_ =	shalt  }
0x40: {  	_ =	shalt  }
0x41: {  	_ =	shalt  }
0x42: {  	_ =	shalt  }
0x43: {  	_ =	shalt  }
0x44: {  	_ =	shalt  }
0x45: {  	_ =	shalt  }
0x46: {  	_ =	shalt  }
0x47: {  	_ =	shalt  }
0x48: {  	_ =	shalt  }
0x49: {  	_ =	shalt  }
0x4a: {  	_ =	shalt  }
0x4b: {  	_ =	shalt  }
0x4c: {  	_ =	shalt  }
0x4d: {  	_ =	shalt  }
0x4e: {  	_ =	shalt  }
0x4f: {  	_ =	shalt  }
0x50: {  	_ =	shalt  }
0x51: {  	_ =	shalt  }
0x52: {  	_ =	shalt  }
0x53: {  	_ =	shalt  }
0x54: {  	_ =	shalt  }
0x55: {  	_ =	shalt  }
0x56: {  	_ =	shalt  }
0x57: {  	_ =	shalt  }
0x58: {  	_ =	shalt  }
0x59: {  	_ =	shalt  }
0x5a: {  	_ =	shalt  }
0x5b: {  	_ =	shalt  }
0x5c: {  	_ =	shalt  }
0x5d: {  	_ =	shalt  }
0x5e: {  	_ =	shalt  }
0x5f: {  	_ =	shalt  }
0x60: {  	_ =	shalt  }
0x61: {  	_ =	shalt  }
0x62: {  	_ =	shalt  }
0x63: {  	_ =	shalt  }
0x64: {  	_ =	shalt  }
0x65: {  	_ =	shalt  }
0x66: {  	_ =	shalt  }
0x67: {  	_ =	shalt  }
0x68: {  	_ =	shalt  }
0x69: {  	_ =	shalt  }
0x6a: {  	_ =	shalt  }
0x6b: {  	_ =	shalt  }
0x6c: {  	_ =	shalt  }
0x6d: {  	_ =	shalt  }
0x6e: {  	_ =	shalt  }
0x6f: {  	_ =	shalt  }
0x70: {  	_ =	shalt  }
0x71: {  	_ =	shalt  }
0x72: {  	_ =	shalt  }
0x73: {  	_ =	shalt  }
0x74: {  	_ =	shalt  }
0x75: {  	_ =	shalt  }
0x76: {  	_ =	shalt  }
0x77: {  	_ =	shalt  }
0x78: {  	_ =	shalt  }
0x79: {  	_ =	shalt  }
0x7a: {  	_ =	shalt  }
0x7b: {  	_ =	shalt  }
0x7c: {  	_ =	shalt  }
0x7d: {  	_ =	shalt  }
0x7e: {  	_ =	shalt  }
0x7f: {  	_ =	shalt  }
0x80: {  	_ =	shalt  }
0x81: {  	_ =	shalt  }
0x82: {  	_ =	shalt  }
0x83: {  	_ =	shalt  }
0x84: {  	_ =	shalt  }
0x85: {  	_ =	shalt  }
0x86: {  	_ =	shalt  }
0x87: {  	_ =	shalt  }
.Lfunc_end0:
.L_simem_size_0:
called_computation.1_lowered:
.L_overlay_start_0:
0x88: {  	s2 =	sld [smem:$0x3FD9]  }
0x89: {  	s3 =	sld [smem:$0x3FFE];
	_ =	sdelay $0x1  }
0x8a: {  	s1 =	srdreg.scid  }
0x8b: {  	s0 =	sand.u32 $0x1, s1  }
0x8c: {  	s17 =	sshll.u32 s0, $0xA;
	s2 =	sadd.s32 s3, s2  }
0x8d: {  	s2 =	sadd.s32 s2, s17  }
0x8e: {  	[smem:$0x3FBE] =	sst s2  }
0x8f: {  	_ = 	snop  }
0x90: {  	s2 =	sld [smem:$0x3FC8];
	(tm) =	ssettm $0x1  }
0x91: {  	s18 =	sld [smem:$0x3FFB];
	_ =	sdelay $0x3  }
0x92: {  	_ =	strace s18  }
0x93: {  	s3 =	sld [smem:$0x3FFC];
	_ =	sdelay $0x3  }
0x94: {  	_ =	strace s3  }
0x95: {  	s3 =	sld [smem:$0x3FFD];
	_ =	sdelay $0x3  }
0x96: {  	_ =	strace s3  }
0x97: {  	_ =	strace $0x8FFFFFFF  }
0x98: {  	s19 =	sld [smem:$0x3FDB];
	_ =	sdelay $0x1  }
0x99: {  	s4 =	simm.s32 $_scs_section_size  }
0x9a: {  	s5 =	simm.s32 $_size__tile_overlayer_lowered;
	s6 =	simm.s32 $_tile_overlayer_lowered  }
0x9b: {  	s22 =	simm.s32 $0x1BFF;
	s21 =	sshll.u32 s6, $0x1;
	s3 =	sadd.s32 s4, s19  }
0x9c: {  	s7 =	simm.s32 $0x0;
	s20 =	sshll.u32 s5, $0x1;
	s5 =	sadd.s32 s21, s3  }
0x9d: {  	[timem:s7], [sflag:s22] =	dma.local [hbm:s5], s20  }
0x9e: {  	_ =	swait.ge [sflag:s22], s20  }
0x9f: {  	s4 =	ssub.s32 $0x0, s20;
	[sflag:s22] =	ssyncset.done $0x0  }
0xa0: {  	[sflag:s22] =	ssyncadd.s32 s4;
	_ =	sdelay $0x1  }
0xa1: {  	s23 =	simm.s32 $0x1B8B  }
0xa2: {  	_ =	swait.ge [sflag:s23], $0x1  }
0xa3: {  	[sflag:s23] =	ssyncset.done $0x0  }
0xa4: {  	s25 =	simm.s32 $0x1B8E;
	s24 =	sld [smem:$0x3FFE];
	[sflag:s23] =	ssyncadd.s32 $0xFFFFFFFF  }
0xa5: {  	s26 =	simm.s32 $execute0_lowered;
	[smem:$0x3FD2] =	sst s25  }
0xa6: {  	s5 =	sshll.u32 s26, $0x1;
	_ =	strace $0x80000049;
	[dreg:$0x1] =	wrdreg $0xFFFFFFFF  }
0xa7: {  	s28 =	simm.s32 $_size_execute0_lowered;
	s3 =	sadd.s32 s3, s5;
	[dreg:$0x0] =	wrdreg $0x0  }
0xa8: {  	s5 =	sshll.u32 s28, $0x1;
	[dreg:$0x2] =	wrdreg s3  }
0xa9: {  	[dreg:$0x3] =	wrdreg s5  }
0xaa: {  	[dreg:$0x4] =	wrdreg $0xC0  }
0xab: {  	_ =	task [dreg:s7], $0x5FFFF  }
0xac: {  	[dreg:$0x1] =	wrdreg $0xFFFFFFFF  }
0xad: {  	[dreg:$0x0] =	wrdreg $0x60  }
0xae: {  	[dreg:$0x2] =	wrdreg s2  }
0xaf: {  	[dreg:$0x3] =	wrdreg s24  }
0xb0: {  	[dreg:$0x4] =	wrdreg $0x82000  }
0xb1: {  	[dreg:$0x5] =	wrdreg $0x9  }
0xb2: {  	_ =	task.clear_ibuf [dreg:s7], $0x6FFFF;
	_ =	strace $0x90000049  }
0xb3: {  	s29 =	simm.s32 $0x9;
	_ =	strace $0x8000004B  }
0xb4: {  	_ =	swait.ge [sflag:s29], $0x1  }
0xb5: {  	[sflag:s29] =	ssyncadd.s32 $0xFFFFFFFF  }
0xb6: {  	_ =	strace $0x9000004B  }
0xb7: {  	_ =	sfence  }
0xb8: {  	s30 =	sld [smem:$0x0];
	_ =	sdelay $0x2  }
0xb9: {  	s31 =	sshll.u32 s1, $0xD;
	s1 =	sshrl.u32 s1, $0x2  }
0xba: {  	s3 =	sand.u32 $0x4000, s31;
	s1 =	sadd.s32 s1, s30  }
0xbb: {  	s0 =	sor.u32 s3, s0;
	s1 =	sshll.u32 s1, $0x11  }
0xbc: {  	s0 =	sor.u32 s1, s0  }
0xbd: {  	s0 =	sadd.s32 $0x8F2B, s0  }
0xbe: {  	[sflag:s0] =	ssyncadd.remote.s32 $0x1  }
0xbf: {  	_ =	sfence.sel $0xFFFF  }
0xc0: {  	[dreg:$0x0] =	wrdreg $0xFFFFFFFF;
	(pc) =	sbr.abs _section_cstart, $3  }
0xc1: {  	[dreg:$0x1] =	wrdreg $0xFFFFFFFF  }
0xc2: {  	_ =	task.clear_ibuf [dreg:s7], $0x2FFFF;
	_ =	strace $0x9FFFFFFF  }
0xc3: {  	(tm) =	ssettm $0x7FFFFFFF  }
tec
execute0_lowered:
.L_overlay_start_1:
0x0: {  	(tag) =	ssettag $0x1  }
0x1: {  	s17 =	rddreg [dreg:$0x0];
	s0 =	srdreg.scid  }
0x2: {  	s5 =	rddreg [dreg:$0x1];
	s25 =	stileid.u32  }
0x3: {  	s2 =	rddreg [dreg:$0x2];
	s3 =	simm.s32 $0x0;
	s7 =	smul.u32 $0x14000, s25  }
0x4: {  	s20 =	simm.s32 $0x8100;
	s22 =	simm.s32 $0x0;
	s28 =	smul.u32 $0x4E, s25  }
0x5: {  	s6 =	sand.u32 $0x1, s0;
	[smem:$0x7FF] =	sst s3;
	s29 =	smul.u32 $0x50000, s25  }
0x6: {  	p1 =	slt.u32 s25, $0x4;
	s4 =	smul.u32 $0x140000, s6;
	s8 =	ssub.s32 $0x2, s6  }
0x7: {  	_ =	strace $0x8000004A;
	p0 =	seq.s32 s6, $0x0;
	s26 =	sshrl.u32 s8, $0x1  }
0x8: {  	s30 =	sshrl.u32 s29, $0x2;
	s4 =	sadd.s32 s7, s4;
	s10 =	ssub.s32 s8, s26  }
0x9: {  	s6 =	sadd.s32 s30, s2;
	s7 =	sshrl.u32 s4, $0x3;
	s4 =	sadd.s32 $0x2B600, s5  }
0xa: {  	s10 =	smax.u32 s10, $0x1;
	s11 =	sadd.s32 $0x4000, s6;
	s12 =	sadd.s32 $0x8000, s6  }
0xb: {  	s9 =	sadd.s32 s7, s5;
	s7 =	smin.u32 s25, $0x4;
	s5 =	simm.s32 $0x4F  }
0xc: {  	s13 =	sadd.s32 $0xC000, s6;
	s7 =	simm.s32 @!p0 $0x4E4;
	s5 =	simm.s32 @!p1 $0x4E  }
0xd: {  	s14 =	sadd.s32 $0x10000, s6;
	s15 =	sadd.s32 s28, s7;
	s5 =	simm.s32 @!p0 $0x4E  }
0xe: {  	s9 =	sadd.s32 $0x52800, s9;
	s16 =	sshll.u32 s15, $0x5;
	s18 =	sshll.u32 s5, $0x5  }
0xf: {  	s19 =	sand.u32 $0xFFFFFF, s15;
	s7 =	sadd.s32 s17, s16;
	s16 =	sadd.s32 $0x20, s16  }
0x10: {  	s18 =	sadd.s32 $0x20, s18;
	s31 =	sshll.u32 s19, $0x5;
	s19 =	simm.s32 $0x3  }
0x11: {  	s8 =	sadd.s32 $0x10, s7;
	s16 =	sand.u32 $0xFFFFE0, s16;
	s15 =	sand.u32 $0xBC0, s18  }
0x12: {  	v0 =	vimm.f32 $0.0e+00;
	s18 =	simm.s32 $0x100;
	s16 =	sadd.s32 s16, s17;
	s17 =	sadd.s32 s31, s17  }
.LBB2_1:
0x13: {  	s23 =	sand.u32 $0xFE00, s3  }
0x14: {  	s24 =	sand.u32 $0x70, s3;
	s25 =	sshrl.u32 s23, $0x2  }
0x15: {  	s23 =	simm.s32 $0x40;
	s25 =	sor.u32 s24, s25;
	s24 =	simm.s32 $0x0  }
.LBB2_2:
0x16: {  	p0 =	sne.s32 s23, $0xFFC0  }
0x17: {  	[tilespmem:s25+$0x100] =	vst v0;
	s24 =	sadd.s32 $0x10, s24;
	s25 =	smov.u32 s23;
	s23 =	sadd.s32 $0x40, s23  }
.Ltmp0:
0x18: {  	(pc) =	sbr.rel @p0 .LBB2_2-.Ltmp0, $4  }
0x19: {  	_ = 	snop  }
0x1a: {  	s25 =	sand.u32 $0xFE00, s25  }
0x1b: {  	s26 =	sand.u32 $0x70, s24;
	s25 =	sshrl.u32 s25, $0x2  }
0x1c: {  	s25 =	sor.u32 s26, s25  }
0x1d: {  	[tilespmem:s25+$0x100] =	vst v0  }
0x1e: {  	[spmem:s6] =	stream.linear.scatter [tilespmem:s18], [sflag:$0x3], $0x4000, $0x38;
	[tilespmem:$0x1C200] =	vst v63  }
0x1f: {  	_ =	swait.ge [sflag:s19], $0x4000  }
0x20: {  	[sflag:s19] =	ssyncset.done $0x0  }
0x21: {  	[sflag:s19] =	ssyncadd.s32 $0xFFFFC000  }
0x22: {  	[spmem:s11] =	stream.linear.scatter [tilespmem:s18], [sflag:$0x3], $0x4000, $0x38;
	[tilespmem:$0x1C200] =	vst v63  }
0x23: {  	_ =	swait.ge [sflag:s19], $0x4000  }
0x24: {  	[sflag:s19] =	ssyncset.done $0x0  }
0x25: {  	[sflag:s19] =	ssyncadd.s32 $0xFFFFC000  }
0x26: {  	[spmem:s12] =	stream.linear.scatter [tilespmem:s18], [sflag:$0x3], $0x4000, $0x38;
	[tilespmem:$0x1C200] =	vst v63  }
0x27: {  	_ =	swait.ge [sflag:s19], $0x4000  }
0x28: {  	[sflag:s19] =	ssyncset.done $0x0  }
0x29: {  	[sflag:s19] =	ssyncadd.s32 $0xFFFFC000  }
0x2a: {  	[spmem:s13] =	stream.linear.scatter [tilespmem:s18], [sflag:$0x3], $0x4000, $0x38;
	[tilespmem:$0x1C200] =	vst v63  }
0x2b: {  	_ =	swait.ge [sflag:s19], $0x4000  }
0x2c: {  	[sflag:s19] =	ssyncset.done $0x0  }
0x2d: {  	[sflag:s19] =	ssyncadd.s32 $0xFFFFC000  }
0x2e: {  	[spmem:s14] =	stream.linear.scatter [tilespmem:s18], [sflag:$0x3], $0x4000, $0x38;
	[tilespmem:$0x1C200] =	vst v63  }
0x2f: {  	_ =	swait.ge [sflag:s19], $0x4000  }
0x30: {  	[sflag:s19] =	ssyncset.done $0x0  }
0x31: {  	[sflag:s19] =	ssyncadd.s32 $0xFFFFC000  }
0x32: {  	s26 =	simm.s32 $0x0;
	[bflag:$0x0] =	sbarrier.arrive $0xFFFF  }
0x33: {  	[tilespmem:s20], [sflag:$0x3] =	stream.linear.gather [hbm4b:s7+s26], $0x80, $0x38;
	[tilespmem:$0x1C200] =	vst v63  }
0x34: {  	_ =	swait.ge [sflag:s19], $0x80  }
0x35: {  	[sflag:s19] =	ssyncset.done $0x0  }
0x36: {  	p1 =	sne.s32 s15, $0x40;
	[sflag:s19] =	ssyncadd.s32 $0xFFFFFF80  }
0x37: {  	[tilespmem:s26], [sflag:$0x3] =	stream.linear.gather [hbm4b:s8+s26], $0x80, $0x38;
	[tilespmem:$0x1C200] =	vst v63  }
.Ltmp1:
0x38: {  	_ = 	snop;
	(pc) =	sbr.rel @!p1 .LBB2_8-.Ltmp1, $4  }
0x39: {  	_ =	swait.ge [sflag:s19], $0x80  }
0x3a: {  	s0 =	simm.s32 $0x80;
	s24 =	simm.s32 $0x1;
	[sflag:s19] =	ssyncset.done $0x0  }
0x3b: {  	s23 =	simm.s32 $0x40;
	p0 =	por $0x0, $0x0;
	[sflag:s19] =	ssyncadd.s32 $0xFFFFFF80  }
0x3c: {  	[tilespmem:s18], [sflag:$0x1] =	stream.indirect.gather [hbm4b:s4+s0], $0x80, s20, s0, $0xb8;
	[tilespmem:$0x1C200] =	vst v63  }
0x3d: {  	p0 =	sle.u32 s5, $0x1  }
0x3e: {  	s24 =	simm.s32 @p0 $0x1  }
0x3f: {  	_ =	swait.ge @p0 [sflag:s24], $0x4000  }
0x40: {  	s25 =	simm.s32 @p0 $0x100;
	s26 =	simm.s32 @!p0 $0x4;
	[sflag:s24] =	ssyncset.done @p0 $0x0  }
0x41: {  	s28 =	simm.s32 @p0 $0x0;
	[sflag:s24] =	ssyncadd.s32 @p0 $0xFFFFC000;
	s24 =	simm.s32 @p0 $0x80  }
0x42: {  	[spmem:s2] =	stream.indirect.scatter.add.f32 @p0 [tilespmem:s25], [sflag:$0x4], $0x80, s28, s24, $0xb8;
	[tilespmem:$0x1C200] =	vst v63  }
0x43: {  	s24 =	sadd.s32 @!p0 $0x0, s16;
	s25 =	simm.s32 @!p0 $0x0;
	s28 =	simm.s32 @!p0 $0x8180  }
0x44: {  	[tilespmem:s28], [sflag:$0x4] =	stream.linear.gather @!p0 [hbm4b:s24+s25], $0x80, $0x38;
	[tilespmem:$0x1C200] =	vst v63  }
0x45: {  	_ =	swait.ge @!p0 [sflag:s26], $0x80  }
0x46: {  	[sflag:s26] =	ssyncset.done @!p0 $0x0  }
0x47: {  	s29 =	simm.s32 @!p0 $0x80;
	s24 =	sadd.s32 @!p0 $0x10, s24;
	[sflag:s26] =	ssyncadd.s32 @!p0 $0xFFFFFF80  }
0x48: {  	[tilespmem:s29], [sflag:$0x4] =	stream.linear.gather @!p0 [hbm4b:s24+s25], $0x80, $0x38;
	[tilespmem:$0x1C200] =	vst v63  }
0x49: {  	_ =	swait.ge @!p0 [sflag:s26], $0x80  }
0x4a: {  	[sflag:s26] =	ssyncset.done @!p0 $0x0  }
0x4b: {  	s30 =	simm.s32 @!p0 $0x1;
	s24 =	simm.s32 @!p0 $0x4100;
	[sflag:s26] =	ssyncadd.s32 @!p0 $0xFFFFFF80  }
0x4c: {  	[tilespmem:s24], [sflag:$0x2] =	stream.indirect.gather @!p0 [hbm4b:s4+s29], $0x80, s28, s29, $0xb8;
	[tilespmem:$0x1C200] =	vst v63  }
0x4d: {  	_ =	swait.ge @!p0 [sflag:s30], $0x4000  }
0x4e: {  	[sflag:s30] =	ssyncset.done @!p0 $0x0  }
0x4f: {  	p1 =	sle.u32 @!p0 s5, $0x2;
	s28 =	simm.s32 @!p0 $0x100;
	[sflag:s30] =	ssyncadd.s32 @!p0 $0xFFFFC000  }
0x50: {  	[spmem:s2] =	stream.indirect.scatter.add.f32 @!p0 [tilespmem:s28], [sflag:$0x4], $0x80, s25, s29, $0xb8;
	[tilespmem:$0x1C200] =	vst v63  }
0x51: {  	p1 =	por p1, p0;
	_ =	swait.ge @!p0 [sflag:s26], $0x4000  }
0x52: {  	s30 =	simm.s32 @!p1 $0x8100;
	s25 =	sadd.s32 @!p1 $0x0, s17;
	[sflag:s26] =	ssyncset.done @!p0 $0x0  }
0x53: {  	s28 =	simm.s32 @!p1 $0x0;
	[sflag:s26] =	ssyncadd.s32 @!p0 $0xFFFFC000;
	s26 =	sadd.s32 @!p1 $0x40, s25  }
0x54: {  	[tilespmem:s30], [sflag:$0x4] =	stream.linear.gather @!p1 [hbm4b:s26+s28], $0x80, $0x38;
	[tilespmem:$0x1C200] =	vst v63  }
0x55: {  	s26 =	simm.s32 @!p1 $0x4  }
0x56: {  	_ =	swait.ge @!p1 [sflag:s26], $0x80  }
0x57: {  	[sflag:s26] =	ssyncset.done @!p1 $0x0  }
0x58: {  	s25 =	sadd.s32 @!p1 $0x50, s25;
	[sflag:s26] =	ssyncadd.s32 @!p1 $0xFFFFFF80  }
0x59: {  	[tilespmem:s28], [sflag:$0x4] =	stream.linear.gather @!p1 [hbm4b:s25+s28], $0x80, $0x38;
	[tilespmem:$0x1C200] =	vst v63  }
0x5a: {  	_ =	swait.ge @!p1 [sflag:s26], $0x80  }
0x5b: {  	[sflag:s26] =	ssyncset.done @!p1 $0x0  }
0x5c: {  	s25 =	simm.s32 @!p1 $0x80;
	s28 =	simm.s32 @!p1 $0x100;
	[sflag:s26] =	ssyncadd.s32 @!p1 $0xFFFFFF80  }
0x5d: {  	[tilespmem:s28], [sflag:$0x1] =	stream.indirect.gather @!p1 [hbm4b:s4+s25], $0x80, s30, s25, $0xb8;
	[tilespmem:$0x1C200] =	vst v63  }
0x5e: {  	s26 =	simm.s32 @!p0 $0x2;
	p1 =	sne.s32 s15, $0x80  }
.Ltmp2:
0x5f: {  	_ =	swait.ge @!p0 [sflag:s26], $0x4000;
	(pc) =	sbr.rel @!p1 .LBB2_5-.Ltmp2, $4  }
0x60: {  	s25 =	simm.s32 @!p0 $0x3;
	[sflag:s26] =	ssyncset.done @!p0 $0x0  }
0x61: {  	s25 =	simm.s32 @p0 $0x4;
	[sflag:s26] =	ssyncadd.s32 @!p0 $0xFFFFC000;
	s26 =	simm.s32 $0x80  }
0x62: {  	[spmem:s2] =	stream.indirect.scatter.add.f32 @!p0 [tilespmem:s24], [sflag:$0x3], $0x80, s29, s29, $0xb8;
	[tilespmem:$0x1C200] =	vst v63  }
0x63: {  	s24 =	simm.s32 $0x3;
	p0 =	por $0x1, $0x1;
	_ =	swait.ge [sflag:s25], $0x4000  }
.LBB2_6:
0x64: {  	p1 =	sge.u32 s24, s5  }
0x65: {  	[sflag:s25] =	ssyncset.done $0x0;
	s28 =	smov.u32 s26;
	s26 =	sadd.s32 $0x40, s26  }
0x66: {  	s29 =	simm.s32 @p1 $0x1;
	s30 =	sadd.s32 @!p1 $0x1, s24;
	[sflag:s25] =	ssyncadd.s32 $0xFFFFC000  }
0x67: {  	s25 =	simm.s32 @!p1 $0x3;
	_ =	swait.ge @p1 [sflag:s29], $0x4000;
	p3 =	sge.u32 @!p1 s30, s5  }
0x68: {  	s31 =	simm.s32 @!p1 $0x4;
	s30 =	simm.s32 @p1 $0x100;
	[sflag:s29] =	ssyncset.done @p1 $0x0  }
0x69: {  	s1 =	simm.s32 @p1 $0x0;
	[sflag:s29] =	ssyncadd.s32 @p1 $0xFFFFC000;
	s29 =	simm.s32 @p1 $0x80  }
0x6a: {  	[spmem:s2] =	stream.indirect.scatter.add.f32 @p1 [tilespmem:s30], [sflag:$0x4], $0x80, s1, s29, $0xb8;
	[tilespmem:$0x1C200] =	vst v63  }
0x6b: {  	s21 =	simm.s32 @!p1 $0x8180;
	s1 =	sadd.s32 @!p1 s23, s16;
	s30 =	simm.s32 @!p1 $0x0  }
0x6c: {  	[tilespmem:s21], [sflag:$0x4] =	stream.linear.gather @!p1 [hbm4b:s1+s30], $0x80, $0x38;
	[tilespmem:$0x1C200] =	vst v63  }
0x6d: {  	p2 =	sne.s32 s15, s26;
	s1 =	sadd.s32 @!p1 $0x10, s1;
	_ =	swait.ge @!p1 [sflag:s31], $0x80  }
0x6e: {  	[sflag:s31] =	ssyncset.done @!p1 $0x0  }
0x6f: {  	s29 =	simm.s32 @!p1 $0x80;
	[sflag:s31] =	ssyncadd.s32 @!p1 $0xFFFFFF80  }
0x70: {  	[tilespmem:s29], [sflag:$0x4] =	stream.linear.gather @!p1 [hbm4b:s1+s30], $0x80, $0x38;
	[tilespmem:$0x1C200] =	vst v63  }
0x71: {  	_ =	swait.ge @!p1 [sflag:s31], $0x80  }
0x72: {  	[sflag:s31] =	ssyncset.done @!p1 $0x0  }
0x73: {  	s0 =	simm.s32 @!p1 $0x1;
	s1 =	simm.s32 @!p1 $0x4100;
	[sflag:s31] =	ssyncadd.s32 @!p1 $0xFFFFFF80  }
0x74: {  	[tilespmem:s1], [sflag:$0x2] =	stream.indirect.gather @!p1 [hbm4b:s4+s29], $0x80, s21, s29, $0xb8;
	[tilespmem:$0x1C200] =	vst v63  }
0x75: {  	_ =	swait.ge @!p1 [sflag:s0], $0x4000  }
0x76: {  	[sflag:s0] =	ssyncset.done @!p1 $0x0  }
0x77: {  	[sflag:s0] =	ssyncadd.s32 @!p1 $0xFFFFC000;
	s0 =	simm.s32 @!p1 $0x100  }
0x78: {  	[spmem:s2] =	stream.indirect.scatter.add.f32 @!p1 [tilespmem:s0], [sflag:$0x4], $0x80, s30, s29, $0xb8;
	[tilespmem:$0x1C200] =	vst v63  }
0x79: {  	p3 =	por p3, p1;
	_ =	swait.ge @!p1 [sflag:s31], $0x4000  }
0x7a: {  	s21 =	simm.s32 @!p3 $0x0;
	s0 =	sadd.s32 @!p3 s23, s17;
	[sflag:s31] =	ssyncset.done @!p1 $0x0  }
0x7b: {  	s30 =	simm.s32 @!p3 $0x8100;
	s23 =	sadd.s32 @!p3 $0x40, s0;
	[sflag:s31] =	ssyncadd.s32 @!p1 $0xFFFFC000  }
0x7c: {  	[tilespmem:s30], [sflag:$0x4] =	stream.linear.gather @!p3 [hbm4b:s23+s21], $0x80, $0x38;
	[tilespmem:$0x1C200] =	vst v63  }
0x7d: {  	s0 =	sadd.s32 @!p3 $0x50, s0;
	s31 =	simm.s32 @!p3 $0x4;
	s23 =	smov.u32 s28  }
0x7e: {  	_ =	swait.ge @!p3 [sflag:s31], $0x80  }
0x7f: {  	[sflag:s31] =	ssyncset.done @!p3 $0x0  }
0x80: {  	[sflag:s31] =	ssyncadd.s32 @!p3 $0xFFFFFF80  }
0x81: {  	[tilespmem:s21], [sflag:$0x4] =	stream.linear.gather @!p3 [hbm4b:s0+s21], $0x80, $0x38;
	[tilespmem:$0x1C200] =	vst v63  }
0x82: {  	_ =	swait.ge @!p3 [sflag:s31], $0x80  }
0x83: {  	s0 =	simm.s32 @!p3 $0x80;
	s21 =	simm.s32 @!p3 $0x100;
	[sflag:s31] =	ssyncset.done @!p3 $0x0  }
0x84: {  	s28 =	simm.s32 @!p1 $0x2;
	[sflag:s31] =	ssyncadd.s32 @!p3 $0xFFFFFF80  }
0x85: {  	[tilespmem:s21], [sflag:$0x1] =	stream.indirect.gather @!p3 [hbm4b:s4+s0], $0x80, s30, s0, $0xb8;
	[tilespmem:$0x1C200] =	vst v63  }
.Ltmp3:
0x86: {  	_ =	swait.ge @!p1 [sflag:s28], $0x4000;
	(pc) =	sbr.rel @p2 .LBB2_6-.Ltmp3, $4  }
0x87: {  	[sflag:s28] =	ssyncset.done @!p1 $0x0  }
0x88: {  	s25 =	simm.s32 @p1 $0x4;
	[sflag:s28] =	ssyncadd.s32 @!p1 $0xFFFFC000  }
0x89: {  	[spmem:s2] =	stream.indirect.scatter.add.f32 @!p1 [tilespmem:s1], [sflag:$0x3], $0x80, s29, s29, $0xb8;
	[tilespmem:$0x1C200] =	vst v63  }
0x8a: {  	s24 =	sadd.s32 $0x2, s24;
	_ =	swait.ge [sflag:s25], $0x4000  }
0x8b: {  	s26 =	smov.u32 s23  }
.LBB2_8:
0x8c: {  	p1 =	sge.u32 s24, s5;
	[sflag:s25] =	ssyncset.done @p0 $0x0  }
0x8d: {  	s0 =	simm.s32 @p1 $0x1;
	[sflag:s25] =	ssyncadd.s32 @p0 $0xFFFFC000  }
0x8e: {  	_ =	swait.ge @p1 [sflag:s0], $0x4000  }
0x8f: {  	s1 =	simm.s32 @p1 $0x100;
	s21 =	simm.s32 @!p1 $0x4;
	[sflag:s0] =	ssyncset.done @p1 $0x0  }
0x90: {  	s23 =	simm.s32 @p1 $0x0;
	[sflag:s0] =	ssyncadd.s32 @p1 $0xFFFFC000;
	s0 =	simm.s32 @p1 $0x80  }
0x91: {  	[spmem:s2] =	stream.indirect.scatter.add.f32 @p1 [tilespmem:s1], [sflag:$0x4], $0x80, s23, s0, $0xb8;
	[tilespmem:$0x1C200] =	vst v63  }
0x92: {  	s0 =	sadd.s32 @!p1 s26, s16;
	s1 =	simm.s32 @!p1 $0x0;
	s23 =	simm.s32 @!p1 $0x8180  }
0x93: {  	[tilespmem:s23], [sflag:$0x4] =	stream.linear.gather @!p1 [hbm4b:s0+s1], $0x80, $0x38;
	[tilespmem:$0x1C200] =	vst v63  }
0x94: {  	_ =	swait.ge @!p1 [sflag:s21], $0x80  }
0x95: {  	[sflag:s21] =	ssyncset.done @!p1 $0x0  }
0x96: {  	s25 =	simm.s32 @!p1 $0x80;
	s0 =	sadd.s32 @!p1 $0x10, s0;
	[sflag:s21] =	ssyncadd.s32 @!p1 $0xFFFFFF80  }
0x97: {  	[tilespmem:s25], [sflag:$0x4] =	stream.linear.gather @!p1 [hbm4b:s0+s1], $0x80, $0x38;
	[tilespmem:$0x1C200] =	vst v63  }
0x98: {  	_ =	swait.ge @!p1 [sflag:s21], $0x80  }
0x99: {  	[sflag:s21] =	ssyncset.done @!p1 $0x0  }
0x9a: {  	s28 =	simm.s32 @!p1 $0x1;
	s0 =	simm.s32 @!p1 $0x4100;
	[sflag:s21] =	ssyncadd.s32 @!p1 $0xFFFFFF80  }
0x9b: {  	[tilespmem:s0], [sflag:$0x2] =	stream.indirect.gather @!p1 [hbm4b:s4+s25], $0x80, s23, s25, $0xb8;
	[tilespmem:$0x1C200] =	vst v63  }
0x9c: {  	_ =	swait.ge @!p1 [sflag:s28], $0x4000  }
0x9d: {  	s23 =	sadd.s32 @!p1 $0x1, s24;
	[sflag:s28] =	ssyncset.done @!p1 $0x0  }
0x9e: {  	p0 =	sge.u32 @!p1 s23, s5;
	s23 =	simm.s32 @!p1 $0x100;
	[sflag:s28] =	ssyncadd.s32 @!p1 $0xFFFFC000  }
0x9f: {  	[spmem:s2] =	stream.indirect.scatter.add.f32 @!p1 [tilespmem:s23], [sflag:$0x4], $0x80, s1, s25, $0xb8;
	[tilespmem:$0x1C200] =	vst v63  }
0xa0: {  	p0 =	por p0, p1;
	_ =	swait.ge @!p1 [sflag:s21], $0x4000  }
0xa1: {  	s24 =	simm.s32 @!p0 $0x8100;
	s1 =	sadd.s32 @!p0 s26, s17;
	[sflag:s21] =	ssyncset.done @!p1 $0x0  }
0xa2: {  	s23 =	simm.s32 @!p0 $0x0;
	[sflag:s21] =	ssyncadd.s32 @!p1 $0xFFFFC000;
	s21 =	sadd.s32 @!p0 $0x40, s1  }
0xa3: {  	[tilespmem:s24], [sflag:$0x4] =	stream.linear.gather @!p0 [hbm4b:s21+s23], $0x80, $0x38;
	[tilespmem:$0x1C200] =	vst v63  }
0xa4: {  	s21 =	simm.s32 @!p0 $0x4  }
0xa5: {  	_ =	swait.ge @!p0 [sflag:s21], $0x80  }
0xa6: {  	[sflag:s21] =	ssyncset.done @!p0 $0x0  }
0xa7: {  	s1 =	sadd.s32 @!p0 $0x50, s1;
	[sflag:s21] =	ssyncadd.s32 @!p0 $0xFFFFFF80  }
0xa8: {  	[tilespmem:s23], [sflag:$0x4] =	stream.linear.gather @!p0 [hbm4b:s1+s23], $0x80, $0x38;
	[tilespmem:$0x1C200] =	vst v63  }
0xa9: {  	_ =	swait.ge @!p0 [sflag:s21], $0x80  }
0xaa: {  	s1 =	simm.s32 @!p0 $0x80;
	[sflag:s21] =	ssyncset.done @!p0 $0x0  }
0xab: {  	s23 =	simm.s32 @!p0 $0x100;
	[sflag:s21] =	ssyncadd.s32 @!p0 $0xFFFFFF80;
	s21 =	simm.s32 @!p1 $0x2  }
0xac: {  	[tilespmem:s23], [sflag:$0x1] =	stream.indirect.gather @!p0 [hbm4b:s4+s1], $0x80, s24, s1, $0xb8;
	[tilespmem:$0x1C200] =	vst v63  }
0xad: {  	_ =	swait.ge @!p1 [sflag:s21], $0x4000  }
0xae: {  	s1 =	simm.s32 @!p1 $0x3;
	[sflag:s21] =	ssyncset.done @!p1 $0x0  }
0xaf: {  	s1 =	simm.s32 @p1 $0x4;
	[sflag:s21] =	ssyncadd.s32 @!p1 $0xFFFFC000  }
0xb0: {  	[spmem:s2] =	stream.indirect.scatter.add.f32 @!p1 [tilespmem:s0], [sflag:$0x3], $0x80, s25, s25, $0xb8;
	[tilespmem:$0x1C200] =	vst v63  }
0xb1: {  	_ =	swait.ge [sflag:s1], $0x4000  }
0xb2: {  	s30 =	stileid.u32;
	s31 =	sshrl.u32 s6, $0x3;
	[sflag:s1] =	ssyncset.done $0x0  }
0xb3: {  	s22 =	sadd.s32 $0x1, s22;
	s0 =	sshll.u32 s30, $0x6;
	[sflag:s1] =	ssyncadd.s32 $0xFFFFC000  }
0xb4: {  	p0 =	sne.s32 s22, s10;
	s0 =	sadd.s32 $0x1C03, s0;
	[bflag:$0x0] =	sbarrier.arrive $0xFFFF  }
0xb5: {  	[hbm:s9], [sflag:s0] =	dma.local [spmem:s31], $0x2800  }
.Ltmp4:
0xb6: {  	_ = 	snop;
	(pc) =	sbr.rel @p0 .LBB2_1-.Ltmp4, $4  }
.Ltmp5:
0xb7: {  	_ = 	snop;
	(pc) =	sbr.rel @!p0 .LBB2_9-.Ltmp5, $4  }
0xb8: {  	_ =	swait.ge [sflag:s19], $0x2800  }
0xb9: {  	[sflag:s19] =	ssyncset.done $0x0  }
0xba: {  	[sflag:s19] =	ssyncadd.s32 $0xFFFFD800  }
0xbb: {  	_ = 	snop  }
.LBB2_5:
.Ltmp6:
0xbc: {  	(pc) =	sbr.rel .LBB2_8-.Ltmp6, $2  }
0xbd: {  	_ =	sdelay $0x2  }
0xbe: {  	s26 =	simm.s32 $0x40  }
.LBB2_9:
0xbf: {  	_ =	sfence.sel $0x180000  }
0xc0: {  	[bflag:$0x0] =	sbarrier.arrive $0xFFFF  }
0xc1: {  	_ =	strace $0x9000004A  }
0xc2: {  	s0 =	stileid.u32;
	[bflag:$0x2] =	sbarrier.arrive $0xFFFF  }
0xc3: {  	p0 =	sne.s32 s0, $0x0;
	s0 =	rddreg [dreg:$0x3]  }
0xc4: {  	s0 =	sadd.s32 @!p0 $0x100000, s0  }
0xc5: {  	[sflag:s0] =	ssyncadd.tile.s32 @!p0 $0x1;
	_ =	shalt  }
.Lfunc_end2:
_tile_overlayer_lowered:
.L_overlay_start_2:
0xc6: {  	(tag) =	ssettag $0x2  }
0xc7: {  	s0 =	rddreg [dreg:$0x0];
	s2 =	stileid.u32  }
0xc8: {  	s1 =	rddreg [dreg:$0x1];
	p0 =	sne.s32 s2, $0x0  }
0xc9: {  	s3 =	rddreg [dreg:$0x2];
	[bflag:$0x3] =	sbarrier.arrive $0xFFFF;
	s2 =	simm.s32 @!p0 $0x1C03  }
0xca: {  	[timem:s3], [sflag:s2] =	dma.local @!p0 [hbm:s0], s1  }
0xcb: {  	s0 =	simm.s32 @!p0 $0x3  }
0xcc: {  	_ =	swait.ge @!p0 [sflag:s0], s1  }
0xcd: {  	s1 =	ssub.s32 @!p0 $0x0, s1;
	[sflag:s0] =	ssyncset.done @!p0 $0x0  }
0xce: {  	[sflag:s0] =	ssyncadd.s32 @!p0 s1  }
0xcf: {  	[bflag:$0x3] =	sbarrier.arrive $0xFFFF  }
0xd0: {  	_ =	shalt  }

// kernel: kernel.7.cloned.1.call-start
scs
__scs_entry_jumppad:
0x0: {  	(pc) =	sbr.rel $0x88, $3  }
0x1: {  	(tag) =	ssettag $0x0;
	lr =	simm.s32 $0x1  }
0x2: {  	[smem:$0x3F97] =	sst lr;
	_ =	strace $0xD0000000  }
0x3: {  	_ = 	snop  }
0x4: {  	_ = 	snop  }
0x5: {  	_ = 	snop  }
0x6: {  	_ = 	snop  }
0x7: {  	_ = 	snop  }
__scs_overlays_trampoline_lowered:
0x8: {  	[smem:$0x3FA6] =	sst s0  }
0x9: {  	[smem:$0x3FA7] =	sst s1  }
0xa: {  	[smem:$0x3FA8] =	sst s2  }
0xb: {  	[smem:$0x3FA9] =	sst s3  }
0xc: {  	[smem:$0x3FAA] =	sst s4  }
0xd: {  	[smem:$0x3FAB] =	sst s5  }
0xe: {  	[smem:$0x3FAC] =	sst s6  }
0xf: {  	[smem:$0x3FAD] =	sst s7  }
0x10: {  	[smem:$0x3FAE] =	sst s8  }
0x11: {  	[smem:$0x3FAF] =	sst s9;
	s0 =	simm.s32 @!p0 $0x0  }
0x12: {  	s1 =	sld [smem:$0x3F95];
	s0 =	simm.s32 @p0 $0x1  }
0x13: {  	[smem:$0x3FB0] =	sst s0;
	s0 =	simm.s32 @!p1 $0x0  }
0x14: {  	s2 =	sld [smem:$0x3F94];
	s0 =	simm.s32 @p1 $0x1  }
0x15: {  	[smem:$0x3FB1] =	sst s0;
	s0 =	simm.s32 @!p2 $0x0  }
0x16: {  	s3 =	sld [smem:$0x3FDB];
	s0 =	simm.s32 @p2 $0x1  }
0x17: {  	s4 =	simm.s32 $0x1BF5;
	[smem:$0x3FB3] =	sst s0  }
0x18: {  	s0 =	sld [smem:$0x3F96];
	_ =	swait.ge [sflag:s4], $0x0  }
0x19: {  	s7 =	sld [smem:$0x3F97]  }
0x1a: {  	s8 =	sadd.s32 $0xFFFFE003, lr  }
0x1b: {  	s9 =	sadd.s32 $0xFFFFFEF7, lr;
	s5 =	simm.s32 $0xFFFFFFFF;
	p2 =	slt.u32 s8, $0xFFFFF086  }
0x1c: {  	p1 =	slt.u32 s9, $0xF7A;
	s5 =	simm.s32 @!p2 $0x0  }
0x1d: {  	s5 =	simm.s32 @p1 $0x1;
	p0 =	seq.s32 s7, s2  }
0x1e: {  	s7 =	smul.u32 @!p0 $0xF7A, s2;
	p2 =	seq.s32 @!p0 s5, $0x0  }
0x1f: {  	s9 =	smul.u32 $0xF7A, s1;
	s8 =	simm.s32 @!p0 $0x1BF5;
	p2 =	por !p2, p0  }
0x20: {  	[sflag:s8] =	ssyncset.s32 @!p0 $0xFFFFF086;
	s6 =	sadd.s32 @!p0 s3, s7;
	s7 =	simm.s32 @!p0 $0x108  }
0x21: {  	s3 =	sadd.s32 s3, s9;
	s6 =	sadd.s32 @!p0 $0x88, s6;
	s7 =	simm.s32 @p2 $0x1082  }
0x22: {  	[simem:s7], [sflag:s8] =	dma.local @!p0 [hbm:s6], $0xF7A  }
0x23: {  	s9 =	sor.u32 $0xD0000000, s2;
	s6 =	simm.s32 $0x108;
	_ =	swait.ge @!p0 [sflag:s8], $0x0  }
0x24: {  	s3 =	sadd.s32 $0x88, s3;
	s6 =	simm.s32 @!p1 $0x1082;
	[sflag:s4] =	ssyncset.s32 $0xFFFFF086  }
0x25: {  	[simem:s6], [sflag:s4] =	dma.local [hbm:s3], $0xF7A  }
0x26: {  	[smem:$0x3F97] =	sst s1;
	(tag) =	ssettag s2;
	_ =	strace s9  }
0x27: {  	s1 =	sld [smem:$0x3FA7]  }
0x28: {  	s2 =	sld [smem:$0x3FA8]  }
0x29: {  	s4 =	sld [smem:$0x3FAA]  }
0x2a: {  	p0 =	seq.s32 s5, $0x0;
	s5 =	sld [smem:$0x3FAB]  }
0x2b: {  	s6 =	sld [smem:$0x3FAC]  }
0x2c: {  	s7 =	sld [smem:$0x3FAD]  }
0x2d: {  	s3 =	simm.s32 $0x108;
	s8 =	sld [smem:$0x3FAE]  }
0x2e: {  	s3 =	simm.s32 @!p0 $0x1082;
	s9 =	sld [smem:$0x3FAF]  }
0x2f: {  	lr =	sadd.s32 s0, s3;
	s0 =	sld [smem:$0x3FA6]  }
0x30: {  	s3 =	sld [smem:$0x3FA9]  }
0x31: {  	[smem:$0x3FB2] =	sst s10  }
0x32: {  	s10 =	sld [smem:$0x3FB0];
	_ =	sdelay $0x3  }
0x33: {  	p0 =	seq.s32 s10, $0x1;
	s10 =	sld [smem:$0x3FB2];
	_ =	sdelay $0x3  }
0x34: {  	[smem:$0x3FB2] =	sst s10  }
0x35: {  	s10 =	sld [smem:$0x3FB1];
	_ =	sdelay $0x3  }
0x36: {  	p1 =	seq.s32 s10, $0x1;
	s10 =	sld [smem:$0x3FB2];
	_ =	sdelay $0x3  }
0x37: {  	[smem:$0x3FB2] =	sst s10  }
0x38: {  	s10 =	sld [smem:$0x3FB3]  }
0x39: {  	_ = 	snop;
	(pc) =	sbr.ind lr, $3  }
0x3a: {  	_ = 	snop  }
0x3b: {  	_ = 	snop  }
0x3c: {  	p2 =	seq.s32 s10, $0x1;
	s10 =	sld [smem:$0x3FB2]  }
0x3d: {  	_ =	shalt  }
0x3e: {  	_ =	shalt  }
0x3f: {  	_ =	shalt  }
0x40: {  	_ =	shalt  }
0x41: {  	_ =	shalt  }
0x42: {  	_ =	shalt  }
0x43: {  	_ =	shalt  }
0x44: {  	_ =	shalt  }
0x45: {  	_ =	shalt  }
0x46: {  	_ =	shalt  }
0x47: {  	_ =	shalt  }
0x48: {  	_ =	shalt  }
0x49: {  	_ =	shalt  }
0x4a: {  	_ =	shalt  }
0x4b: {  	_ =	shalt  }
0x4c: {  	_ =	shalt  }
0x4d: {  	_ =	shalt  }
0x4e: {  	_ =	shalt  }
0x4f: {  	_ =	shalt  }
0x50: {  	_ =	shalt  }
0x51: {  	_ =	shalt  }
0x52: {  	_ =	shalt  }
0x53: {  	_ =	shalt  }
0x54: {  	_ =	shalt  }
0x55: {  	_ =	shalt  }
0x56: {  	_ =	shalt  }
0x57: {  	_ =	shalt  }
0x58: {  	_ =	shalt  }
0x59: {  	_ =	shalt  }
0x5a: {  	_ =	shalt  }
0x5b: {  	_ =	shalt  }
0x5c: {  	_ =	shalt  }
0x5d: {  	_ =	shalt  }
0x5e: {  	_ =	shalt  }
0x5f: {  	_ =	shalt  }
0x60: {  	_ =	shalt  }
0x61: {  	_ =	shalt  }
0x62: {  	_ =	shalt  }
0x63: {  	_ =	shalt  }
0x64: {  	_ =	shalt  }
0x65: {  	_ =	shalt  }
0x66: {  	_ =	shalt  }
0x67: {  	_ =	shalt  }
0x68: {  	_ =	shalt  }
0x69: {  	_ =	shalt  }
0x6a: {  	_ =	shalt  }
0x6b: {  	_ =	shalt  }
0x6c: {  	_ =	shalt  }
0x6d: {  	_ =	shalt  }
0x6e: {  	_ =	shalt  }
0x6f: {  	_ =	shalt  }
0x70: {  	_ =	shalt  }
0x71: {  	_ =	shalt  }
0x72: {  	_ =	shalt  }
0x73: {  	_ =	shalt  }
0x74: {  	_ =	shalt  }
0x75: {  	_ =	shalt  }
0x76: {  	_ =	shalt  }
0x77: {  	_ =	shalt  }
0x78: {  	_ =	shalt  }
0x79: {  	_ =	shalt  }
0x7a: {  	_ =	shalt  }
0x7b: {  	_ =	shalt  }
0x7c: {  	_ =	shalt  }
0x7d: {  	_ =	shalt  }
0x7e: {  	_ =	shalt  }
0x7f: {  	_ =	shalt  }
0x80: {  	_ =	shalt  }
0x81: {  	_ =	shalt  }
0x82: {  	_ =	shalt  }
0x83: {  	_ =	shalt  }
0x84: {  	_ =	shalt  }
0x85: {  	_ =	shalt  }
0x86: {  	_ =	shalt  }
0x87: {  	_ =	shalt  }
.Lfunc_end0:
.L_simem_size_0:
called_computation_lowered:
.L_overlay_start_0:
0x88: {  	s2 =	sld [smem:$0x3FD9]  }
0x89: {  	s3 =	sld [smem:$0x3FFE];
	_ =	sdelay $0x1  }
0x8a: {  	s1 =	srdreg.scid  }
0x8b: {  	s0 =	sand.u32 $0x1, s1  }
0x8c: {  	s17 =	sshll.u32 s0, $0xA;
	s2 =	sadd.s32 s3, s2  }
0x8d: {  	s2 =	sadd.s32 s2, s17  }
0x8e: {  	[smem:$0x3FBE] =	sst s2  }
0x8f: {  	_ = 	snop  }
0x90: {  	s2 =	sld [smem:$0x3FC9]  }
0x91: {  	s18 =	sld [smem:$0x3FC8]  }
0x92: {  	s4 =	sld [smem:$0x3FD0];
	(tm) =	ssettm $0x1  }
0x93: {  	s5 =	sld [smem:$0x3FFB];
	_ =	sdelay $0x3  }
0x94: {  	_ =	strace s5  }
0x95: {  	s5 =	sld [smem:$0x3FFC];
	_ =	sdelay $0x3  }
0x96: {  	_ =	strace s5  }
0x97: {  	s5 =	sld [smem:$0x3FFD];
	_ =	sdelay $0x3  }
0x98: {  	_ =	strace s5  }
0x99: {  	_ =	strace $0x8FFFFFFF  }
0x9a: {  	s19 =	sld [smem:$0x3FDB];
	_ =	sdelay $0x1  }
0x9b: {  	s6 =	simm.s32 $_scs_section_size  }
0x9c: {  	s7 =	simm.s32 $_size__tile_overlayer_lowered;
	s8 =	simm.s32 $_tile_overlayer_lowered  }
0x9d: {  	s22 =	simm.s32 $0x1BFF;
	s21 =	sshll.u32 s8, $0x1;
	s5 =	sadd.s32 s6, s19  }
0x9e: {  	s9 =	simm.s32 $0x0;
	s20 =	sshll.u32 s7, $0x1;
	s7 =	sadd.s32 s21, s5  }
0x9f: {  	[timem:s9], [sflag:s22] =	dma.local [hbm:s7], s20  }
0xa0: {  	_ =	swait.ge [sflag:s22], s20  }
0xa1: {  	s6 =	ssub.s32 $0x0, s20;
	[sflag:s22] =	ssyncset.done $0x0  }
0xa2: {  	[sflag:s22] =	ssyncadd.s32 s6;
	_ =	sdelay $0x1  }
0xa3: {  	s23 =	simm.s32 $0x1B8B  }
0xa4: {  	_ =	swait.ge [sflag:s23], $0x1  }
0xa5: {  	[sflag:s23] =	ssyncset.done $0x0  }
0xa6: {  	s25 =	simm.s32 $0x1B8E;
	s24 =	sld [smem:$0x3FFE];
	[sflag:s23] =	ssyncadd.s32 $0xFFFFFFFF  }
0xa7: {  	s26 =	simm.s32 $execute0_lowered;
	[smem:$0x3FD2] =	sst s25  }
0xa8: {  	s7 =	sshll.u32 s26, $0x1;
	_ =	strace $0x80000046;
	[dreg:$0x1] =	wrdreg $0xFFFFFFFF  }
0xa9: {  	s28 =	simm.s32 $_size_execute0_lowered;
	s5 =	sadd.s32 s5, s7;
	[dreg:$0x0] =	wrdreg $0x0  }
0xaa: {  	s7 =	sshll.u32 s28, $0x1;
	[dreg:$0x2] =	wrdreg s5  }
0xab: {  	[dreg:$0x3] =	wrdreg s7  }
0xac: {  	[dreg:$0x4] =	wrdreg $0xC0  }
0xad: {  	_ =	task [dreg:s9], $0x5FFFF  }
0xae: {  	[dreg:$0x1] =	wrdreg $0xFFFFFFFF  }
0xaf: {  	[dreg:$0x0] =	wrdreg $0x60  }
0xb0: {  	[dreg:$0x2] =	wrdreg s18  }
0xb1: {  	[dreg:$0x3] =	wrdreg s2  }
0xb2: {  	[dreg:$0x4] =	wrdreg s4  }
0xb3: {  	[dreg:$0x5] =	wrdreg s24  }
0xb4: {  	[dreg:$0x6] =	wrdreg $0xAA000  }
0xb5: {  	[dreg:$0x7] =	wrdreg $0x9  }
0xb6: {  	_ =	task.clear_ibuf [dreg:s9], $0x8FFFF;
	_ =	strace $0x90000046  }
0xb7: {  	s29 =	simm.s32 $0x9;
	_ =	strace $0x80000048  }
0xb8: {  	_ =	swait.ge [sflag:s29], $0x1  }
0xb9: {  	[sflag:s29] =	ssyncadd.s32 $0xFFFFFFFF  }
0xba: {  	_ =	strace $0x90000048  }
0xbb: {  	_ =	sfence  }
0xbc: {  	s30 =	sld [smem:$0x0];
	_ =	sdelay $0x2  }
0xbd: {  	s31 =	sshll.u32 s1, $0xD;
	s1 =	sshrl.u32 s1, $0x2  }
0xbe: {  	s3 =	sand.u32 $0x4000, s31;
	s1 =	sadd.s32 s1, s30  }
0xbf: {  	s0 =	sor.u32 s3, s0;
	s1 =	sshll.u32 s1, $0x11  }
0xc0: {  	s0 =	sor.u32 s1, s0  }
0xc1: {  	s0 =	sadd.s32 $0x8F2B, s0  }
0xc2: {  	[sflag:s0] =	ssyncadd.remote.s32 $0x1  }
0xc3: {  	_ =	sfence.sel $0xFFFF  }
0xc4: {  	[dreg:$0x0] =	wrdreg $0xFFFFFFFF;
	(pc) =	sbr.abs _section_cstart, $3  }
0xc5: {  	[dreg:$0x1] =	wrdreg $0xFFFFFFFF  }
0xc6: {  	_ =	task.clear_ibuf [dreg:s9], $0x2FFFF;
	_ =	strace $0x9FFFFFFF  }
0xc7: {  	(tm) =	ssettm $0x7FFFFFFF  }
tec
execute0_lowered:
.L_overlay_start_1:
0x0: {  	(tag) =	ssettag $0x1  }
0x1: {  	s18 =	rddreg [dreg:$0x0]  }
0x2: {  	s0 =	srdreg.scid;
	s1 =	rddreg [dreg:$0x1]  }
0x3: {  	s19 =	stileid.u32;
	s8 =	rddreg [dreg:$0x3]  }
0x4: {  	s4 =	rddreg [dreg:$0x4];
	s9 =	smul.u32 $0x14000, s19  }
0x5: {  	s5 =	simm.s32 $0x0;
	s6 =	sand.u32 $0x1, s0;
	s24 =	smul.u32 $0x4E, s19  }
0x6: {  	s11 =	sshll.u32 s19, $0x7;
	[smem:$0x7FF] =	sst s5;
	s13 =	smul.u32 $0x50000, s19  }
0x7: {  	p1 =	slt.u32 s19, $0x4;
	s3 =	sshll.u32 s6, $0x4;
	s7 =	smul.u32 $0x140000, s6  }
0x8: {  	s11 =	sand.u32 $0x380, s11;
	_ =	strace $0x80000047;
	s23 =	ssub.s32 $0x2, s6  }
0x9: {  	p0 =	seq.s32 s6, $0x0;
	s6 =	simm.s32 $0x4F;
	s3 =	sor.u32 s19, s3  }
0xa: {  	s12 =	sshrl.u32 s23, $0x1;
	s6 =	simm.s32 @!p1 $0x4E;
	s3 =	sshrl.u32 s3, $0x3  }
0xb: {  	s25 =	sshrl.u32 s13, $0x2;
	s7 =	sadd.s32 s9, s7;
	s10 =	smul.u32 $0x14000, s3  }
0xc: {  	s12 =	ssub.s32 s23, s12;
	s6 =	simm.s32 @!p0 $0x4E;
	s7 =	sshrl.u32 s7, $0x3  }
0xd: {  	s30 =	smax.u32 s12, $0x1;
	s21 =	sadd.s32 s7, s8;
	s20 =	sor.u32 s11, s10  }
0xe: {  	[dreg:$0xa] =	wrdreg s30;
	s28 =	sadd.s32 $0x3600, s21;
	s9 =	sshrl.u32 s20, $0x3  }
0xf: {  	s23 =	simm.s32 $0x80;
	[dreg:$0x8] =	wrdreg s28;
	s22 =	sadd.s32 s9, s8  }
0x10: {  	s9 =	smin.u32 s19, $0x4;
	s8 =	sadd.s32 s25, s4;
	s19 =	sshll.u32 s6, $0x5  }
0x11: {  	s9 =	simm.s32 @!p0 $0x4E4;
	s29 =	sadd.s32 $0x53600, s22;
	s13 =	sadd.s32 $0x4000, s8  }
0x12: {  	s14 =	sadd.s32 $0x8000, s8;
	s16 =	sadd.s32 $0x10000, s8;
	s19 =	sadd.s32 $0x20, s19  }
0x13: {  	s22 =	simm.s32 $0x2800;
	s17 =	sadd.s32 s24, s9;
	[dreg:$0x9] =	wrdreg s29  }
0x14: {  	s24 =	simm.s32 $0x1;
	s15 =	sshll.u32 s17, $0x5;
	s21 =	sand.u32 $0xFFFFFF, s17  }
0x15: {  	s17 =	sand.u32 $0xBC0, s19;
	s19 =	simm.s32 $0x2900;
	s7 =	sadd.s32 s18, s15  }
0x16: {  	s20 =	sadd.s32 $0x20, s15;
	s15 =	sadd.s32 $0xC000, s8;
	s31 =	sshll.u32 s21, $0x5  }
0x17: {  	s21 =	simm.s32 $0xA900;
	s26 =	sadd.s32 $0x10, s7;
	s20 =	sand.u32 $0xFFFFE0, s20  }
0x18: {  	[dreg:$0x7] =	wrdreg s26;
	s20 =	sadd.s32 s20, s18;
	s18 =	sadd.s32 s31, s18  }
0x19: {  	v0 =	vimm.f32 $0.0e+00;
	v1 =	vimm.f32 $1.000000000e+00;
	s26 =	simm.s32 $0x0;
	[dreg:$0x6] =	wrdreg s20;
	s20 =	simm.s32 $0x3  }
.LBB2_1:
0x1a: {  	s0 =	rddreg [dreg:$0x2]  }
0x1b: {  	[tilespmem:s19], [sflag:$0x3] =	stream.linear.gather [hbm4b:s0+s5], $0x4000, $0x38;
	[tilespmem:$0x1EA00] =	vst v63  }
0x1c: {  	_ =	swait.ge [sflag:s20], $0x4000  }
0x1d: {  	[sflag:s20] =	ssyncset.done $0x0  }
0x1e: {  	s28 =	simm.s32 $0x40;
	s29 =	simm.s32 $0x0;
	[sflag:s20] =	ssyncadd.s32 $0xFFFFC000  }
.LBB2_2:
0x1f: {  	p0 =	sne.s32 s28, $0x9FC0;
	[tilespmem:s29+$0x0] =	vst v0;
	s29 =	smov.u32 s28;
	s28 =	sadd.s32 $0x40, s28  }
.Ltmp0:
0x20: {  	(pc) =	sbr.rel @p0 .LBB2_2-.Ltmp0, $2  }
0x21: {  	_ =	sdelay $0x2  }
0x22: {  	s29 =	sshra.s32 s29, $0x2  }
0x23: {  	[tilespmem:s29+$0x0] =	vst v0  }
0x24: {  	[spmem:s8] =	stream.linear.scatter [tilespmem:s19], [sflag:$0x3], $0x4000, $0x38;
	[tilespmem:$0x1EA00] =	vst v63  }
0x25: {  	_ =	swait.ge [sflag:s20], $0x4000  }
0x26: {  	[sflag:s20] =	ssyncset.done $0x0  }
0x27: {  	[sflag:s20] =	ssyncadd.s32 $0xFFFFC000  }
0x28: {  	[spmem:s13] =	stream.linear.scatter [tilespmem:s19], [sflag:$0x3], $0x4000, $0x38;
	[tilespmem:$0x1EA00] =	vst v63  }
0x29: {  	_ =	swait.ge [sflag:s20], $0x4000  }
0x2a: {  	[sflag:s20] =	ssyncset.done $0x0  }
0x2b: {  	[sflag:s20] =	ssyncadd.s32 $0xFFFFC000  }
0x2c: {  	[spmem:s14] =	stream.linear.scatter [tilespmem:s19], [sflag:$0x3], $0x4000, $0x38;
	[tilespmem:$0x1EA00] =	vst v63  }
0x2d: {  	_ =	swait.ge [sflag:s20], $0x4000  }
0x2e: {  	[sflag:s20] =	ssyncset.done $0x0  }
0x2f: {  	[sflag:s20] =	ssyncadd.s32 $0xFFFFC000  }
0x30: {  	[spmem:s15] =	stream.linear.scatter [tilespmem:s19], [sflag:$0x3], $0x4000, $0x38;
	[tilespmem:$0x1EA00] =	vst v63  }
0x31: {  	_ =	swait.ge [sflag:s20], $0x4000  }
0x32: {  	[sflag:s20] =	ssyncset.done $0x0  }
0x33: {  	[sflag:s20] =	ssyncadd.s32 $0xFFFFC000  }
0x34: {  	[spmem:s16] =	stream.linear.scatter [tilespmem:s19], [sflag:$0x3], $0x4000, $0x38;
	[tilespmem:$0x1EA00] =	vst v63  }
0x35: {  	_ =	swait.ge [sflag:s20], $0x4000  }
0x36: {  	[sflag:s20] =	ssyncset.done $0x0  }
0x37: {  	[sflag:s20] =	ssyncadd.s32 $0xFFFFC000  }
0x38: {  	s28 =	simm.s32 $0x0;
	[bflag:$0x0] =	sbarrier.arrive $0xFFFF  }
0x39: {  	[tilespmem:s21], [sflag:$0x3] =	stream.linear.gather [hbm4b:s7+s28], $0x80, $0x38;
	[tilespmem:$0x1EA00] =	vst v63  }
0x3a: {  	_ =	swait.ge [sflag:s20], $0x80  }
0x3b: {  	[sflag:s20] =	ssyncset.done $0x0  }
0x3c: {  	s0 =	rddreg [dreg:$0x7];
	[sflag:s20] =	ssyncadd.s32 $0xFFFFFF80  }
0x3d: {  	[tilespmem:s22], [sflag:$0x3] =	stream.linear.gather [hbm4b:s0+s28], $0x80, $0x38;
	[tilespmem:$0x1EA00] =	vst v63  }
0x3e: {  	_ =	swait.ge [sflag:s20], $0x80  }
0x3f: {  	[sflag:s20] =	ssyncset.done $0x0  }
0x40: {  	s29 =	simm.s32 $0x1;
	[sflag:s20] =	ssyncadd.s32 $0xFFFFFF80  }
0x41: {  	[tilespmem:s19], [sflag:$0x1] =	stream.indirect.gather [hbm4b:s1+s23], $0x80, s21, s23, $0xb8;
	[tilespmem:$0x1EA00] =	vst v63  }
.LBB2_4:
0x42: {  	s30 =	rddreg [dreg:$0x6];
	p0 =	sge.u32 s29, s6  }
0x43: {  	s3 =	sadd.s32 @!p0 s28, s30  }
0x44: {  	s30 =	simm.s32 @!p0 $0x0;
	s2 =	simm.s32 @!p0 $0xA980;
	s31 =	simm.s32 @!p0 $0x3  }
0x45: {  	[tilespmem:s2], [sflag:$0x3] =	stream.linear.gather @!p0 [hbm4b:s3+s30], $0x80, $0x38;
	[tilespmem:$0x1EA00] =	vst v63  }
0x46: {  	_ =	swait.ge @!p0 [sflag:s31], $0x80  }
0x47: {  	[sflag:s31] =	ssyncset.done @!p0 $0x0  }
0x48: {  	s0 =	simm.s32 @!p0 $0x2880;
	s3 =	sadd.s32 @!p0 $0x10, s3;
	[sflag:s31] =	ssyncadd.s32 @!p0 $0xFFFFFF80  }
0x49: {  	[tilespmem:s0], [sflag:$0x3] =	stream.linear.gather @!p0 [hbm4b:s3+s30], $0x80, $0x38;
	[tilespmem:$0x1EA00] =	vst v63  }
0x4a: {  	_ =	swait.ge @!p0 [sflag:s31], $0x80  }
0x4b: {  	[sflag:s31] =	ssyncset.done @!p0 $0x0  }
0x4c: {  	s25 =	simm.s32 @!p0 $0x6900;
	s3 =	simm.s32 @!p0 $0x80;
	[sflag:s31] =	ssyncadd.s32 @!p0 $0xFFFFFF80  }
0x4d: {  	[tilespmem:s25], [sflag:$0x2] =	stream.indirect.gather @!p0 [hbm4b:s1+s3], $0x80, s2, s3, $0xb8;
	[tilespmem:$0x1EA00] =	vst v63  }
0x4e: {  	_ =	swait.ge [sflag:s24], $0x4000  }
0x4f: {  	[sflag:s24] =	ssyncset.done $0x0  }
0x50: {  	[sflag:s24] =	ssyncadd.s32 $0xFFFFC000  }
0x51: {  	[spmem:s4] =	stream.indirect.scatter.add.f32 [tilespmem:s19], [sflag:$0x3], $0x80, s22, s23, $0xb8;
	[tilespmem:$0x1EA00] =	vst v63  }
0x52: {  	_ =	swait.ge [sflag:s20], $0x4000  }
0x53: {  	[sflag:s20] =	ssyncset.done $0x0  }
0x54: {  	[sflag:s20] =	ssyncadd.s32 $0xFFFFC000  }
0x55: {  	v2 =	vld [tilespmem:$0x2800];
	_ =	sdelay $0x7  }
0x56: {  	[tilespmem:v2+s5+$0x0] =	vst.idx.add.f32.msk $0xffff, v1  }
0x57: {  	v2 =	vld [tilespmem:$0x2810];
	_ =	sdelay $0x7  }
0x58: {  	[tilespmem:v2+s5+$0x0] =	vst.idx.add.f32.msk $0xffff, v1  }
0x59: {  	v2 =	vld [tilespmem:$0x2820];
	_ =	sdelay $0x7  }
0x5a: {  	[tilespmem:v2+s5+$0x0] =	vst.idx.add.f32.msk $0xffff, v1  }
0x5b: {  	v2 =	vld [tilespmem:$0x2830];
	_ =	sdelay $0x7  }
0x5c: {  	[tilespmem:v2+s5+$0x0] =	vst.idx.add.f32.msk $0xffff, v1  }
0x5d: {  	v2 =	vld [tilespmem:$0x2840];
	_ =	sdelay $0x7  }
0x5e: {  	[tilespmem:v2+s5+$0x0] =	vst.idx.add.f32.msk $0xffff, v1  }
0x5f: {  	v2 =	vld [tilespmem:$0x2850];
	_ =	sdelay $0x7  }
0x60: {  	[tilespmem:v2+s5+$0x0] =	vst.idx.add.f32.msk $0xffff, v1  }
0x61: {  	v2 =	vld [tilespmem:$0x2860];
	_ =	sdelay $0x7  }
0x62: {  	[tilespmem:v2+s5+$0x0] =	vst.idx.add.f32.msk $0xffff, v1  }
0x63: {  	v2 =	vld [tilespmem:$0x2870];
	_ =	sdelay $0x3  }
0x64: {  	s2 =	sadd.s32 @!p0 $0x1, s29  }
0x65: {  	p1 =	sge.u32 @!p0 s2, s6  }
0x66: {  	p1 =	por p1, p0  }
0x67: {  	s2 =	sadd.s32 @!p1 s28, s18  }
0x68: {  	s10 =	simm.s32 @!p1 $0x0;
	s11 =	simm.s32 @!p1 $0xA900;
	s9 =	sadd.s32 @!p1 $0x40, s2;
	[tilespmem:v2+s5+$0x0] =	vst.idx.add.f32.msk $0xffff, v1  }
0x69: {  	[tilespmem:s11], [sflag:$0x3] =	stream.linear.gather @!p1 [hbm4b:s9+s10], $0x80, $0x38;
	[tilespmem:$0x1EA00] =	vst v63  }
0x6a: {  	s9 =	simm.s32 @!p1 $0x3  }
0x6b: {  	_ =	swait.ge @!p1 [sflag:s9], $0x80  }
0x6c: {  	[sflag:s9] =	ssyncset.done @!p1 $0x0  }
0x6d: {  	s12 =	simm.s32 @!p1 $0x2800;
	s2 =	sadd.s32 @!p1 $0x50, s2;
	[sflag:s9] =	ssyncadd.s32 @!p1 $0xFFFFFF80  }
0x6e: {  	[tilespmem:s12], [sflag:$0x3] =	stream.linear.gather @!p1 [hbm4b:s2+s10], $0x80, $0x38;
	[tilespmem:$0x1EA00] =	vst v63  }
0x6f: {  	_ =	swait.ge @!p1 [sflag:s9], $0x80  }
0x70: {  	[sflag:s9] =	ssyncset.done @!p1 $0x0  }
0x71: {  	s2 =	simm.s32 @!p1 $0x80;
	[sflag:s9] =	ssyncadd.s32 @!p1 $0xFFFFFF80;
	s9 =	simm.s32 @!p1 $0x2900  }
0x72: {  	[tilespmem:s9], [sflag:$0x1] =	stream.indirect.gather @!p1 [hbm4b:s1+s2], $0x80, s11, s2, $0xb8;
	[tilespmem:$0x1EA00] =	vst v63  }
0x73: {  	s2 =	simm.s32 @!p0 $0x2  }
0x74: {  	_ =	swait.ge @!p0 [sflag:s2], $0x4000  }
0x75: {  	[sflag:s2] =	ssyncset.done @!p0 $0x0  }
0x76: {  	[sflag:s2] =	ssyncadd.s32 @!p0 $0xFFFFC000  }
0x77: {  	[spmem:s4] =	stream.indirect.scatter.add.f32 @!p0 [tilespmem:s25], [sflag:$0x3], $0x80, s0, s3, $0xb8;
	[tilespmem:$0x1EA00] =	vst v63  }
0x78: {  	_ =	swait.ge @!p0 [sflag:s31], $0x4000  }
0x79: {  	[sflag:s31] =	ssyncset.done @!p0 $0x0  }
0x7a: {  	[sflag:s31] =	ssyncadd.s32 @!p0 $0xFFFFC000  }
0x7b: {  	v2 =	vld @!p0 [tilespmem:$0x2880];
	_ =	sdelay $0x6  }
0x7c: {  	v3 =	vimm.f32 @!p0 $1.000000000e+00  }
0x7d: {  	[tilespmem:v2+s30+$0x0] =	vst.idx.add.f32.msk @!p0 $0xffff, v3  }
0x7e: {  	v2 =	vld @!p0 [tilespmem:$0x2890];
	_ =	sdelay $0x7  }
0x7f: {  	[tilespmem:v2+s30+$0x0] =	vst.idx.add.f32.msk @!p0 $0xffff, v3  }
0x80: {  	v2 =	vld @!p0 [tilespmem:$0x28A0];
	_ =	sdelay $0x7  }
0x81: {  	[tilespmem:v2+s30+$0x0] =	vst.idx.add.f32.msk @!p0 $0xffff, v3  }
0x82: {  	v2 =	vld @!p0 [tilespmem:$0x28B0];
	_ =	sdelay $0x7  }
0x83: {  	[tilespmem:v2+s30+$0x0] =	vst.idx.add.f32.msk @!p0 $0xffff, v3  }
0x84: {  	v2 =	vld @!p0 [tilespmem:$0x28C0];
	_ =	sdelay $0x7  }
0x85: {  	[tilespmem:v2+s30+$0x0] =	vst.idx.add.f32.msk @!p0 $0xffff, v3  }
0x86: {  	v2 =	vld @!p0 [tilespmem:$0x28D0];
	_ =	sdelay $0x7  }
0x87: {  	[tilespmem:v2+s30+$0x0] =	vst.idx.add.f32.msk @!p0 $0xffff, v3  }
0x88: {  	v2 =	vld @!p0 [tilespmem:$0x28E0];
	_ =	sdelay $0x7  }
0x89: {  	[tilespmem:v2+s30+$0x0] =	vst.idx.add.f32.msk @!p0 $0xffff, v3  }
0x8a: {  	v2 =	vld @!p0 [tilespmem:$0x28F0];
	_ =	sdelay $0x1  }
0x8b: {  	s28 =	sadd.s32 $0x40, s28  }
0x8c: {  	p1 =	sne.s32 s17, s28  }
.Ltmp1:
0x8d: {  	_ = 	snop;
	(pc) =	sbr.rel @p1 .LBB2_4-.Ltmp1, $2  }
0x8e: {  	_ =	sdelay $0x2  }
0x8f: {  	s29 =	sadd.s32 $0x2, s29;
	[tilespmem:v2+s30+$0x0] =	vst.idx.add.f32.msk @!p0 $0xffff, v3  }
0x90: {  	s0 =	stileid.u32  }
0x91: {  	[bflag:$0x0] =	sbarrier.arrive $0xFFFF;
	s0 =	sshll.u32 s0, $0x6  }
0x92: {  	s2 =	sshrl.u32 s8, $0x3;
	s3 =	rddreg [dreg:$0x8];
	s0 =	sadd.s32 $0x1C03, s0  }
0x93: {  	[hbm:s3], [sflag:s0] =	dma.local [spmem:s2], $0x2800  }
0x94: {  	_ =	swait.ge [sflag:s20], $0x2800  }
0x95: {  	[sflag:s20] =	ssyncset.done $0x0  }
0x96: {  	s30 =	simm.s32 $0x400;
	s29 =	rddreg [dreg:$0x9];
	[sflag:s20] =	ssyncadd.s32 $0xFFFFD800  }
0x97: {  	[hbm4b:s29+s23] =	stream.strided.scatter [tilespmem:s5], [sflag:$0x3], $0x2800, s30, s23, $0x38;
	[tilespmem:$0x1EA00] =	vst v63  }
0x98: {  	_ =	swait.ge [sflag:s20], $0x2800  }
0x99: {  	s26 =	sadd.s32 $0x1, s26;
	s31 =	rddreg [dreg:$0xa]  }
0x9a: {  	p0 =	sne.s32 s26, s31  }
.Ltmp2:
0x9b: {  	_ = 	snop;
	(pc) =	sbr.rel @p0 .LBB2_1-.Ltmp2, $3  }
0x9c: {  	_ =	sdelay $0x1  }
0x9d: {  	[sflag:s20] =	ssyncset.done $0x0  }
0x9e: {  	[sflag:s20] =	ssyncadd.s32 $0xFFFFD800  }
0x9f: {  	_ =	sfence.sel $0x180000  }
0xa0: {  	[bflag:$0x0] =	sbarrier.arrive $0xFFFF  }
0xa1: {  	_ =	strace $0x90000047  }
0xa2: {  	s0 =	stileid.u32;
	[bflag:$0x2] =	sbarrier.arrive $0xFFFF  }
0xa3: {  	p0 =	sne.s32 s0, $0x0;
	s0 =	rddreg [dreg:$0x5]  }
0xa4: {  	s0 =	sadd.s32 @!p0 $0x100000, s0  }
0xa5: {  	[sflag:s0] =	ssyncadd.tile.s32 @!p0 $0x1;
	_ =	shalt  }
.Lfunc_end2:
_tile_overlayer_lowered:
.L_overlay_start_2:
0xa6: {  	(tag) =	ssettag $0x2  }
0xa7: {  	s0 =	rddreg [dreg:$0x0];
	s2 =	stileid.u32  }
0xa8: {  	s1 =	rddreg [dreg:$0x1];
	p0 =	sne.s32 s2, $0x0  }
0xa9: {  	s3 =	rddreg [dreg:$0x2];
	[bflag:$0x3] =	sbarrier.arrive $0xFFFF;
	s2 =	simm.s32 @!p0 $0x1C03  }
0xaa: {  	[timem:s3], [sflag:s2] =	dma.local @!p0 [hbm:s0], s1  }
0xab: {  	s0 =	simm.s32 @!p0 $0x3  }
0xac: {  	_ =	swait.ge @!p0 [sflag:s0], s1  }
0xad: {  	s1 =	ssub.s32 @!p0 $0x0, s1;
	[sflag:s0] =	ssyncset.done @!p0 $0x0  }
0xae: {  	[sflag:s0] =	ssyncadd.s32 @!p0 s1  }
0xaf: {  	[bflag:$0x3] =	sbarrier.arrive $0xFFFF  }
0xb0: {  	_ =	shalt  }

</sc_bundles>
